<compile_context>
chip_gen: v7x
topology: tpu7x:2x2x1
jax: 0.10.2.dev20260603
libtpu: 0.0.44.dev20260713+nightly
codegen_flags: <defaults>
</compile_context>

<pallas_src>
import functools

import jax
import jax.numpy as jnp
from jax import lax
from jax.experimental import pallas as pl
from jax.experimental.pallas import tpu as pltpu
from jax.experimental.pallas import tpu_sc as plsc

NUM_WORKERS = 16
BATCH_SIZE = 16384
PER_WORKER = BATCH_SIZE // NUM_WORKERS
CHUNK = 256
NUM_CHUNKS = PER_WORKER // CHUNK
LANES = 16

_mesh = plsc.VectorSubcoreMesh(core_axis_name="c", subcore_axis_name="s", num_cores=1)


@functools.partial(
    pl.kernel,
    mesh=_mesh,
    out_type=jax.ShapeDtypeStruct((BATCH_SIZE,), jnp.float32),
    scratch_types=[
        pltpu.VMEM((1, PER_WORKER), jnp.int32),
        pltpu.VMEM((1, PER_WORKER), jnp.int32),
        pltpu.VMEM((1, PER_WORKER), jnp.float32),
        pltpu.VMEM((1, PER_WORKER), jnp.float32),
        pltpu.VMEM((PER_WORKER,), jnp.float32),
        pltpu.SemaphoreType.DMA,
        pltpu.SemaphoreType.DMA,
        pltpu.SemaphoreType.DMA,
        pltpu.SemaphoreType.DMA,
        pltpu.SemaphoreType.DMA,
        pltpu.SemaphoreType.DMA,
    ],
)
def _irt_sc_kernel(agent_idx_hbm, task_idx_hbm, theta_hbm, beta_hbm,
                   out_hbm, aidx_v, tidx_v, th_v, be_v, o_v, sem_a, sem_t,
                   sem_c0, sem_c1, sem_c2, sem_c3):
    chunk_sems = (sem_c0, sem_c1, sem_c2, sem_c3)
    wid = lax.axis_index("s")
    base = wid * PER_WORKER
    ca = pltpu.async_copy(
        agent_idx_hbm.at[pl.ds(base, PER_WORKER)], aidx_v.at[0], sem_a)
    cb = pltpu.async_copy(
        task_idx_hbm.at[pl.ds(base, PER_WORKER)], tidx_v.at[0], sem_t)
    ca.wait()
    cb.wait()
    th_copies = []
    be_copies = []
    for j in range(NUM_CHUNKS):
        sl = pl.ds(j * CHUNK, CHUNK)
        th_copies.append(pltpu.async_copy(
            theta_hbm.at[aidx_v.at[:, sl]], th_v.at[:, sl], chunk_sems[j]))
        be_copies.append(pltpu.async_copy(
            beta_hbm.at[tidx_v.at[:, sl]], be_v.at[:, sl], chunk_sems[j]))
    st_copies = []
    for j in range(NUM_CHUNKS):
        th_copies[j].wait()
        be_copies[j].wait()
        for i in range(CHUNK // LANES):
            sl = pl.ds(j * CHUNK + i * LANES, LANES)
            o_v[sl] = th_v[0, sl] - be_v[0, sl]
        csl = pl.ds(j * CHUNK, CHUNK)
        st_copies.append(pltpu.async_copy(
            o_v.at[csl], out_hbm.at[pl.ds(base + j * CHUNK, CHUNK)],
            chunk_sems[j]))
    for c in st_copies:
        c.wait()


def kernel(agent_idx, task_idx, theta, beta):
    return _irt_sc_kernel(
        agent_idx.astype(jnp.int32),
        task_idx.astype(jnp.int32),
        theta.T,
        beta.T,
    )

# --- scband reference (transcript-rebuilt; emitter-appended) ---
"""Pipeline reference for scband-standard-irt-11416023072790 (READ-ONLY COPY).

The authoritative reference and input builder live on the scoring server;
editing this copy changes nothing except your own understanding.
"""

import jax, jax.numpy as jnp
import numpy as np

NUM_AGENTS = 100000
NUM_TASKS = 1000000
BATCH = 16384

def setup_inputs(seed: int = 0) -> dict:
    key = jax.random.key(seed)
    k1, k2, k3, k4 = jax.random.split(key, 4)
    agent_idx = jax.random.randint(k1, (BATCH,), 0, NUM_AGENTS, dtype=jnp.int64) if jax.config.jax_enable_x64 else jax.random.randint(k1, (BATCH,), 0, NUM_AGENTS, dtype=jnp.int32)
    task_idx = jax.random.randint(k2, (BATCH,), 0, NUM_TASKS, dtype=jnp.int32)
    theta = jax.random.normal(k3, (NUM_AGENTS, 1), dtype=jnp.float32) * 0.1
    beta = jax.random.normal(k4, (NUM_TASKS, 1), dtype=jnp.float32) * 0.1
    return {"agent_idx": agent_idx, "task_idx": task_idx, "theta": theta, "beta": beta}

def reference(agent_idx, task_idx, theta, beta):
    # theta lookup: gather rows from ability table
    th = jnp.take(theta, agent_idx, axis=0)  # [B, 1]
    # beta lookup: gather rows from difficulty table
    be = jnp.take(beta, task_idx, axis=0)    # [B, 1]
    logits = th - be                         # [B, 1]
    return jnp.squeeze(logits, axis=-1)      # [B]

if __name__ == "__main__":
    import jax
    _d = setup_inputs()
    print(jax.jit(kernel)(*tuple(_d.values())))

</pallas_src>

<mosaic_0001>
#map = affine_map<(d0, d1) -> (0)>
#map1 = affine_map<(d0, d1) -> (0, 0)>
module attributes {stable_mosaic.version = 14 : i64} {
  func.func @_irt_sc_kernel(%arg0: i32, %arg1: i32, %arg2: memref<16384xi32, #tpu.memory_space<hbm>>, %arg3: memref<16384xi32, #tpu.memory_space<hbm>>, %arg4: memref<1x100000xf32, #tpu.memory_space<hbm>>, %arg5: memref<1x1000000xf32, #tpu.memory_space<hbm>>, %arg6: memref<16384xf32, #tpu.memory_space<hbm>>, %arg7: memref<1x1024xi32, #tpu.memory_space<vmem>>, %arg8: memref<1x1024xi32, #tpu.memory_space<vmem>>, %arg9: memref<1x1024xf32, #tpu.memory_space<vmem>>, %arg10: memref<1x1024xf32, #tpu.memory_space<vmem>>, %arg11: memref<1024xf32, #tpu.memory_space<vmem>>, %arg12: memref<!tpu.dma_semaphore, #tpu.memory_space<semaphore_mem>>, %arg13: memref<!tpu.dma_semaphore, #tpu.memory_space<semaphore_mem>>, %arg14: memref<!tpu.dma_semaphore, #tpu.memory_space<semaphore_mem>>, %arg15: memref<!tpu.dma_semaphore, #tpu.memory_space<semaphore_mem>>, %arg16: memref<!tpu.dma_semaphore, #tpu.memory_space<semaphore_mem>>, %arg17: memref<!tpu.dma_semaphore, #tpu.memory_space<semaphore_mem>>) attributes {dimension_semantics = [#tpu.dimension_semantics<core_parallel>, #tpu.dimension_semantics<subcore_parallel>], iteration_bounds = array<i64: 1, 16>, scalar_prefetch = 0 : i64, scratch_operands = 11 : i64, tpu.core_type = #tpu.core_type<sc_vector_subcore>, window_params = [{transform_indices = #map}, {transform_indices = #map}, {transform_indices = #map1}, {transform_indices = #map1}, {transform_indices = #map}]} {
    %mul3A = arith.constant 1024 : i32
    %mul3A_0 = arith.muli %arg1, %mul3A : i32
    %dma_start3A = arith.constant 0 : i32
    %dma_start3A_1 = arith.constant 0 : i32
    %dma_start3A_2 = tpu.memref_slice %arg7[%dma_start3A, %dma_start3A_1] : memref<1x1024xi32, #tpu.memory_space<vmem>> -> memref<1x1024xi32, #tpu.memory_space<vmem>>
    %dma_start3A_3 = tpu.memref_squeeze %dma_start3A_2 : memref<1x1024xi32, #tpu.memory_space<vmem>> -> memref<1024xi32, #tpu.memory_space<vmem>>
    %dma_start3A_4 = tpu.memref_slice %arg2[%mul3A_0] : memref<16384xi32, #tpu.memory_space<hbm>> -> memref<1024xi32, #tpu.memory_space<hbm>>
    %dma_start3A_5 = arith.constant 0 : i32
    %dma_start3A_6 = tpu.memref_slice %arg7[%dma_start3A, %dma_start3A_5] : memref<1x1024xi32, #tpu.memory_space<vmem>> -> memref<1x1024xi32, #tpu.memory_space<vmem>>
    %dma_start3A_7 = tpu.memref_squeeze %dma_start3A_6 : memref<1x1024xi32, #tpu.memory_space<vmem>> -> memref<1024xi32, #tpu.memory_space<vmem>>
    %dma_start3A_8 = tpu.memref_slice %arg2[%mul3A_0] : memref<16384xi32, #tpu.memory_space<hbm>> -> memref<1024xi32, #tpu.memory_space<hbm>>
    tpu.enqueue_dma source(%dma_start3A_8 : memref<1024xi32, #tpu.memory_space<hbm>>) target(%dma_start3A_7 : memref<1024xi32, #tpu.memory_space<vmem>>) target_semaphore(%arg12 : memref<!tpu.dma_semaphore, #tpu.memory_space<semaphore_mem>>)
    %dma_start3A_9 = arith.constant 0 : i32
    %dma_start3A_10 = arith.constant 0 : i32
    %dma_start3A_11 = tpu.memref_slice %arg8[%dma_start3A_9, %dma_start3A_10] : memref<1x1024xi32, #tpu.memory_space<vmem>> -> memref<1x1024xi32, #tpu.memory_space<vmem>>
    %dma_start3A_12 = tpu.memref_squeeze %dma_start3A_11 : memref<1x1024xi32, #tpu.memory_space<vmem>> -> memref<1024xi32, #tpu.memory_space<vmem>>
    %dma_start3A_13 = tpu.memref_slice %arg3[%mul3A_0] : memref<16384xi32, #tpu.memory_space<hbm>> -> memref<1024xi32, #tpu.memory_space<hbm>>
    %dma_start3A_14 = arith.constant 0 : i32
    %dma_start3A_15 = tpu.memref_slice %arg8[%dma_start3A_9, %dma_start3A_14] : memref<1x1024xi32, #tpu.memory_space<vmem>> -> memref<1x1024xi32, #tpu.memory_space<vmem>>
    %dma_start3A_16 = tpu.memref_squeeze %dma_start3A_15 : memref<1x1024xi32, #tpu.memory_space<vmem>> -> memref<1024xi32, #tpu.memory_space<vmem>>
    %dma_start3A_17 = tpu.memref_slice %arg3[%mul3A_0] : memref<16384xi32, #tpu.memory_space<hbm>> -> memref<1024xi32, #tpu.memory_space<hbm>>
    tpu.enqueue_dma source(%dma_start3A_17 : memref<1024xi32, #tpu.memory_space<hbm>>) target(%dma_start3A_16 : memref<1024xi32, #tpu.memory_space<vmem>>) target_semaphore(%arg13 : memref<!tpu.dma_semaphore, #tpu.memory_space<semaphore_mem>>)
    %dma_wait3A = arith.constant 0 : i32
    %dma_wait3A_18 = arith.constant 0 : i32
    %dma_wait3A_19 = tpu.memref_slice %arg7[%dma_wait3A, %dma_wait3A_18] : memref<1x1024xi32, #tpu.memory_space<vmem>> -> memref<1x1024xi32, #tpu.memory_space<vmem>>
    %dma_wait3A_20 = tpu.memref_squeeze %dma_wait3A_19 : memref<1x1024xi32, #tpu.memory_space<vmem>> -> memref<1024xi32, #tpu.memory_space<vmem>>
    %dma_wait3A_21 = tpu.memref_slice %arg2[%mul3A_0] : memref<16384xi32, #tpu.memory_space<hbm>> -> memref<1024xi32, #tpu.memory_space<hbm>>
    %dma_wait3A_22 = arith.constant 0 : i32
    %dma_wait3A_23 = tpu.memref_slice %arg7[%dma_wait3A, %dma_wait3A_22] : memref<1x1024xi32, #tpu.memory_space<vmem>> -> memref<1x1024xi32, #tpu.memory_space<vmem>>
    %dma_wait3A_24 = tpu.memref_squeeze %dma_wait3A_23 : memref<1x1024xi32, #tpu.memory_space<vmem>> -> memref<1024xi32, #tpu.memory_space<vmem>>
    %dma_wait3A_25 = tpu.memref_slice %arg2[%mul3A_0] : memref<16384xi32, #tpu.memory_space<hbm>> -> memref<1024xi32, #tpu.memory_space<hbm>>
    tpu.wait_dma2 semaphore(%arg12 : memref<!tpu.dma_semaphore, #tpu.memory_space<semaphore_mem>>) src(%dma_wait3A_25 : memref<1024xi32, #tpu.memory_space<hbm>>) dst(%dma_wait3A_24 : memref<1024xi32, #tpu.memory_space<vmem>>)
    %dma_wait3A_26 = arith.constant 0 : i32
    %dma_wait3A_27 = arith.constant 0 : i32
    %dma_wait3A_28 = tpu.memref_slice %arg8[%dma_wait3A_26, %dma_wait3A_27] : memref<1x1024xi32, #tpu.memory_space<vmem>> -> memref<1x1024xi32, #tpu.memory_space<vmem>>
    %dma_wait3A_29 = tpu.memref_squeeze %dma_wait3A_28 : memref<1x1024xi32, #tpu.memory_space<vmem>> -> memref<1024xi32, #tpu.memory_space<vmem>>
    %dma_wait3A_30 = tpu.memref_slice %arg3[%mul3A_0] : memref<16384xi32, #tpu.memory_space<hbm>> -> memref<1024xi32, #tpu.memory_space<hbm>>
    %dma_wait3A_31 = arith.constant 0 : i32
    %dma_wait3A_32 = tpu.memref_slice %arg8[%dma_wait3A_26, %dma_wait3A_31] : memref<1x1024xi32, #tpu.memory_space<vmem>> -> memref<1x1024xi32, #tpu.memory_space<vmem>>
    %dma_wait3A_33 = tpu.memref_squeeze %dma_wait3A_32 : memref<1x1024xi32, #tpu.memory_space<vmem>> -> memref<1024xi32, #tpu.memory_space<vmem>>
    %dma_wait3A_34 = tpu.memref_slice %arg3[%mul3A_0] : memref<16384xi32, #tpu.memory_space<hbm>> -> memref<1024xi32, #tpu.memory_space<hbm>>
    tpu.wait_dma2 semaphore(%arg13 : memref<!tpu.dma_semaphore, #tpu.memory_space<semaphore_mem>>) src(%dma_wait3A_34 : memref<1024xi32, #tpu.memory_space<hbm>>) dst(%dma_wait3A_33 : memref<1024xi32, #tpu.memory_space<vmem>>)
    %dma_start3A_35 = arith.constant 0 : i32
    %dma_start3A_36 = arith.constant 0 : i32
    %dma_start3A_37 = tpu.memref_slice %arg9[%dma_start3A_35, %dma_start3A_36] : memref<1x1024xf32, #tpu.memory_space<vmem>> -> memref<1x256xf32, #tpu.memory_space<vmem>>
    %dma_start3A_38 = arith.constant 0 : i32
    %dma_start3A_39 = arith.constant 0 : i32
    %dma_start3A_40 = tpu.memref_slice %arg7[%dma_start3A_38, %dma_start3A_39] : memref<1x1024xi32, #tpu.memory_space<vmem>> -> memref<1x256xi32, #tpu.memory_space<vmem>>
    %dma_start3A_41 = arith.constant 0 : i32
    %dma_start3A_42 = arith.constant 0 : i32
    %dma_start3A_43 = tpu.memref_slice %arg4[%dma_start3A_41, %dma_start3A_42] : memref<1x100000xf32, #tpu.memory_space<hbm>> -> memref<1x100000xf32, #tpu.memory_space<hbm>>
    tpu.enqueue_indirect_dma source(%dma_start3A_43 : memref<1x100000xf32, #tpu.memory_space<hbm>>) target(%dma_start3A_37 : memref<1x256xf32, #tpu.memory_space<vmem>>) offsets(%dma_start3A_40 : memref<1x256xi32, #tpu.memory_space<vmem>>) semaphore(%arg14 : memref<!tpu.dma_semaphore, #tpu.memory_space<semaphore_mem>>)
    %dma_start3A_44 = arith.constant 0 : i32
    %dma_start3A_45 = arith.constant 0 : i32
    %dma_start3A_46 = tpu.memref_slice %arg10[%dma_start3A_44, %dma_start3A_45] : memref<1x1024xf32, #tpu.memory_space<vmem>> -> memref<1x256xf32, #tpu.memory_space<vmem>>
    %dma_start3A_47 = arith.constant 0 : i32
    %dma_start3A_48 = arith.constant 0 : i32
    %dma_start3A_49 = tpu.memref_slice %arg8[%dma_start3A_47, %dma_start3A_48] : memref<1x1024xi32, #tpu.memory_space<vmem>> -> memref<1x256xi32, #tpu.memory_space<vmem>>
    %dma_start3A_50 = arith.constant 0 : i32
    %dma_start3A_51 = arith.constant 0 : i32
    %dma_start3A_52 = tpu.memref_slice %arg5[%dma_start3A_50, %dma_start3A_51] : memref<1x1000000xf32, #tpu.memory_space<hbm>> -> memref<1x1000000xf32, #tpu.memory_space<hbm>>
    tpu.enqueue_indirect_dma source(%dma_start3A_52 : memref<1x1000000xf32, #tpu.memory_space<hbm>>) target(%dma_start3A_46 : memref<1x256xf32, #tpu.memory_space<vmem>>) offsets(%dma_start3A_49 : memref<1x256xi32, #tpu.memory_space<vmem>>) semaphore(%arg14 : memref<!tpu.dma_semaphore, #tpu.memory_space<semaphore_mem>>)
    %dma_start3A_53 = arith.constant 0 : i32
    %dma_start3A_54 = arith.constant 256 : i32
    %dma_start3A_55 = tpu.memref_slice %arg9[%dma_start3A_53, %dma_start3A_54] : memref<1x1024xf32, #tpu.memory_space<vmem>> -> memref<1x256xf32, #tpu.memory_space<vmem>>
    %dma_start3A_56 = arith.constant 0 : i32
    %dma_start3A_57 = arith.constant 256 : i32
    %dma_start3A_58 = tpu.memref_slice %arg7[%dma_start3A_56, %dma_start3A_57] : memref<1x1024xi32, #tpu.memory_space<vmem>> -> memref<1x256xi32, #tpu.memory_space<vmem>>
    %dma_start3A_59 = arith.constant 0 : i32
    %dma_start3A_60 = arith.constant 0 : i32
    %dma_start3A_61 = tpu.memref_slice %arg4[%dma_start3A_59, %dma_start3A_60] : memref<1x100000xf32, #tpu.memory_space<hbm>> -> memref<1x100000xf32, #tpu.memory_space<hbm>>
    tpu.enqueue_indirect_dma source(%dma_start3A_61 : memref<1x100000xf32, #tpu.memory_space<hbm>>) target(%dma_start3A_55 : memref<1x256xf32, #tpu.memory_space<vmem>>) offsets(%dma_start3A_58 : memref<1x256xi32, #tpu.memory_space<vmem>>) semaphore(%arg15 : memref<!tpu.dma_semaphore, #tpu.memory_space<semaphore_mem>>)
    %dma_start3A_62 = arith.constant 0 : i32
    %dma_start3A_63 = arith.constant 256 : i32
    %dma_start3A_64 = tpu.memref_slice %arg10[%dma_start3A_62, %dma_start3A_63] : memref<1x1024xf32, #tpu.memory_space<vmem>> -> memref<1x256xf32, #tpu.memory_space<vmem>>
    %dma_start3A_65 = arith.constant 0 : i32
    %dma_start3A_66 = arith.constant 256 : i32
    %dma_start3A_67 = tpu.memref_slice %arg8[%dma_start3A_65, %dma_start3A_66] : memref<1x1024xi32, #tpu.memory_space<vmem>> -> memref<1x256xi32, #tpu.memory_space<vmem>>
    %dma_start3A_68 = arith.constant 0 : i32
    %dma_start3A_69 = arith.constant 0 : i32
    %dma_start3A_70 = tpu.memref_slice %arg5[%dma_start3A_68, %dma_start3A_69] : memref<1x1000000xf32, #tpu.memory_space<hbm>> -> memref<1x1000000xf32, #tpu.memory_space<hbm>>
    tpu.enqueue_indirect_dma source(%dma_start3A_70 : memref<1x1000000xf32, #tpu.memory_space<hbm>>) target(%dma_start3A_64 : memref<1x256xf32, #tpu.memory_space<vmem>>) offsets(%dma_start3A_67 : memref<1x256xi32, #tpu.memory_space<vmem>>) semaphore(%arg15 : memref<!tpu.dma_semaphore, #tpu.memory_space<semaphore_mem>>)
    %dma_start3A_71 = arith.constant 0 : i32
    %dma_start3A_72 = arith.constant 512 : i32
    %dma_start3A_73 = tpu.memref_slice %arg9[%dma_start3A_71, %dma_start3A_72] : memref<1x1024xf32, #tpu.memory_space<vmem>> -> memref<1x256xf32, #tpu.memory_space<vmem>>
    %dma_start3A_74 = arith.constant 0 : i32
    %dma_start3A_75 = arith.constant 512 : i32
    %dma_start3A_76 = tpu.memref_slice %arg7[%dma_start3A_74, %dma_start3A_75] : memref<1x1024xi32, #tpu.memory_space<vmem>> -> memref<1x256xi32, #tpu.memory_space<vmem>>
    %dma_start3A_77 = arith.constant 0 : i32
    %dma_start3A_78 = arith.constant 0 : i32
    %dma_start3A_79 = tpu.memref_slice %arg4[%dma_start3A_77, %dma_start3A_78] : memref<1x100000xf32, #tpu.memory_space<hbm>> -> memref<1x100000xf32, #tpu.memory_space<hbm>>
    tpu.enqueue_indirect_dma source(%dma_start3A_79 : memref<1x100000xf32, #tpu.memory_space<hbm>>) target(%dma_start3A_73 : memref<1x256xf32, #tpu.memory_space<vmem>>) offsets(%dma_start3A_76 : memref<1x256xi32, #tpu.memory_space<vmem>>) semaphore(%arg16 : memref<!tpu.dma_semaphore, #tpu.memory_space<semaphore_mem>>)
    %dma_start3A_80 = arith.constant 0 : i32
    %dma_start3A_81 = arith.constant 512 : i32
    %dma_start3A_82 = tpu.memref_slice %arg10[%dma_start3A_80, %dma_start3A_81] : memref<1x1024xf32, #tpu.memory_space<vmem>> -> memref<1x256xf32, #tpu.memory_space<vmem>>
    %dma_start3A_83 = arith.constant 0 : i32
    %dma_start3A_84 = arith.constant 512 : i32
    %dma_start3A_85 = tpu.memref_slice %arg8[%dma_start3A_83, %dma_start3A_84] : memref<1x1024xi32, #tpu.memory_space<vmem>> -> memref<1x256xi32, #tpu.memory_space<vmem>>
    %dma_start3A_86 = arith.constant 0 : i32
    %dma_start3A_87 = arith.constant 0 : i32
    %dma_start3A_88 = tpu.memref_slice %arg5[%dma_start3A_86, %dma_start3A_87] : memref<1x1000000xf32, #tpu.memory_space<hbm>> -> memref<1x1000000xf32, #tpu.memory_space<hbm>>
    tpu.enqueue_indirect_dma source(%dma_start3A_88 : memref<1x1000000xf32, #tpu.memory_space<hbm>>) target(%dma_start3A_82 : memref<1x256xf32, #tpu.memory_space<vmem>>) offsets(%dma_start3A_85 : memref<1x256xi32, #tpu.memory_space<vmem>>) semaphore(%arg16 : memref<!tpu.dma_semaphore, #tpu.memory_space<semaphore_mem>>)
    %dma_start3A_89 = arith.constant 0 : i32
    %dma_start3A_90 = arith.constant 768 : i32
    %dma_start3A_91 = tpu.memref_slice %arg9[%dma_start3A_89, %dma_start3A_90] : memref<1x1024xf32, #tpu.memory_space<vmem>> -> memref<1x256xf32, #tpu.memory_space<vmem>>
    %dma_start3A_92 = arith.constant 0 : i32
    %dma_start3A_93 = arith.constant 768 : i32
    %dma_start3A_94 = tpu.memref_slice %arg7[%dma_start3A_92, %dma_start3A_93] : memref<1x1024xi32, #tpu.memory_space<vmem>> -> memref<1x256xi32, #tpu.memory_space<vmem>>
    %dma_start3A_95 = arith.constant 0 : i32
    %dma_start3A_96 = arith.constant 0 : i32
    %dma_start3A_97 = tpu.memref_slice %arg4[%dma_start3A_95, %dma_start3A_96] : memref<1x100000xf32, #tpu.memory_space<hbm>> -> memref<1x100000xf32, #tpu.memory_space<hbm>>
    tpu.enqueue_indirect_dma source(%dma_start3A_97 : memref<1x100000xf32, #tpu.memory_space<hbm>>) target(%dma_start3A_91 : memref<1x256xf32, #tpu.memory_space<vmem>>) offsets(%dma_start3A_94 : memref<1x256xi32, #tpu.memory_space<vmem>>) semaphore(%arg17 : memref<!tpu.dma_semaphore, #tpu.memory_space<semaphore_mem>>)
    %dma_start3A_98 = arith.constant 0 : i32
    %dma_start3A_99 = arith.constant 768 : i32
    %dma_start3A_100 = tpu.memref_slice %arg10[%dma_start3A_98, %dma_start3A_99] : memref<1x1024xf32, #tpu.memory_space<vmem>> -> memref<1x256xf32, #tpu.memory_space<vmem>>
    %dma_start3A_101 = arith.constant 0 : i32
    %dma_start3A_102 = arith.constant 768 : i32
    %dma_start3A_103 = tpu.memref_slice %arg8[%dma_start3A_101, %dma_start3A_102] : memref<1x1024xi32, #tpu.memory_space<vmem>> -> memref<1x256xi32, #tpu.memory_space<vmem>>
    %dma_start3A_104 = arith.constant 0 : i32
    %dma_start3A_105 = arith.constant 0 : i32
    %dma_start3A_106 = tpu.memref_slice %arg5[%dma_start3A_104, %dma_start3A_105] : memref<1x1000000xf32, #tpu.memory_space<hbm>> -> memref<1x1000000xf32, #tpu.memory_space<hbm>>
    tpu.enqueue_indirect_dma source(%dma_start3A_106 : memref<1x1000000xf32, #tpu.memory_space<hbm>>) target(%dma_start3A_100 : memref<1x256xf32, #tpu.memory_space<vmem>>) offsets(%dma_start3A_103 : memref<1x256xi32, #tpu.memory_space<vmem>>) semaphore(%arg17 : memref<!tpu.dma_semaphore, #tpu.memory_space<semaphore_mem>>)
    %dma_wait3A_107 = arith.constant 0 : i32
    %dma_wait3A_108 = arith.constant 0 : i32
    %dma_wait3A_109 = tpu.memref_slice %arg9[%dma_wait3A_107, %dma_wait3A_108] : memref<1x1024xf32, #tpu.memory_space<vmem>> -> memref<1x256xf32, #tpu.memory_space<vmem>>
    %dma_wait3A_110 = arith.constant 0 : i32
    %dma_wait3A_111 = arith.constant 0 : i32
    %dma_wait3A_112 = tpu.memref_slice %arg7[%dma_wait3A_110, %dma_wait3A_111] : memref<1x1024xi32, #tpu.memory_space<vmem>> -> memref<1x256xi32, #tpu.memory_space<vmem>>
    %dma_wait3A_113 = arith.constant 0 : i32
    %dma_wait3A_114 = arith.constant 0 : i32
    %dma_wait3A_115 = tpu.memref_slice %arg4[%dma_wait3A_113, %dma_wait3A_114] : memref<1x100000xf32, #tpu.memory_space<hbm>> -> memref<1x100000xf32, #tpu.memory_space<hbm>>
    tpu.wait_indirect_dma semaphore(%arg14 : memref<!tpu.dma_semaphore, #tpu.memory_space<semaphore_mem>>) src(%dma_wait3A_115 : memref<1x100000xf32, #tpu.memory_space<hbm>>) dst(%dma_wait3A_109 : memref<1x256xf32, #tpu.memory_space<vmem>>)
    %dma_wait3A_116 = arith.constant 0 : i32
    %dma_wait3A_117 = arith.constant 0 : i32
    %dma_wait3A_118 = tpu.memref_slice %arg10[%dma_wait3A_116, %dma_wait3A_117] : memref<1x1024xf32, #tpu.memory_space<vmem>> -> memref<1x256xf32, #tpu.memory_space<vmem>>
    %dma_wait3A_119 = arith.constant 0 : i32
    %dma_wait3A_120 = arith.constant 0 : i32
    %dma_wait3A_121 = tpu.memref_slice %arg8[%dma_wait3A_119, %dma_wait3A_120] : memref<1x1024xi32, #tpu.memory_space<vmem>> -> memref<1x256xi32, #tpu.memory_space<vmem>>
    %dma_wait3A_122 = arith.constant 0 : i32
    %dma_wait3A_123 = arith.constant 0 : i32
    %dma_wait3A_124 = tpu.memref_slice %arg5[%dma_wait3A_122, %dma_wait3A_123] : memref<1x1000000xf32, #tpu.memory_space<hbm>> -> memref<1x1000000xf32, #tpu.memory_space<hbm>>
    tpu.wait_indirect_dma semaphore(%arg14 : memref<!tpu.dma_semaphore, #tpu.memory_space<semaphore_mem>>) src(%dma_wait3A_124 : memref<1x1000000xf32, #tpu.memory_space<hbm>>) dst(%dma_wait3A_118 : memref<1x256xf32, #tpu.memory_space<vmem>>)
    %get3A = arith.constant 0 : i32
    %get3A_125 = arith.index_cast %get3A : i32 to index
    %get3A_126 = arith.constant 0 : index
    %get3A_127 = tpu.vector_load %arg9[%get3A_125, %get3A_126] {strides = array<i32>} : memref<1x1024xf32, #tpu.memory_space<vmem>>, vector<1x16xf32>,
    %get3A_128 = vector.shape_cast %get3A_127 : vector<1x16xf32> to vector<16xf32>
    %get3A_129 = arith.constant 0 : i32
    %get3A_130 = arith.index_cast %get3A_129 : i32 to index
    %get3A_131 = arith.constant 0 : index
    %get3A_132 = tpu.vector_load %arg10[%get3A_130, %get3A_131] {strides = array<i32>} : memref<1x1024xf32, #tpu.memory_space<vmem>>, vector<1x16xf32>,
    %get3A_133 = vector.shape_cast %get3A_132 : vector<1x16xf32> to vector<16xf32>
    %sub3A = arith.subf %get3A_128, %get3A_133 : vector<16xf32>
    %swap3A = arith.constant 0 : index
    %swap3A_134 = tpu.vector_load %arg11[%swap3A] {strides = array<i32>} : memref<1024xf32, #tpu.memory_space<vmem>>, vector<16xf32>,
    %swap3A_135 = vector.shape_cast %swap3A_134 : vector<16xf32> to vector<16xf32>
    %swap3A_136 = vector.shape_cast %sub3A : vector<16xf32> to vector<16xf32>
    tpu.vector_store %arg11[%swap3A], %swap3A_136 {strides = array<i32>} : memref<1024xf32, #tpu.memory_space<vmem>>, vector<16xf32>,
    %get3A_137 = arith.constant 0 : i32
    %get3A_138 = arith.index_cast %get3A_137 : i32 to index
    %get3A_139 = arith.constant 16 : index
    %get3A_140 = tpu.vector_load %arg9[%get3A_138, %get3A_139] {strides = array<i32>} : memref<1x1024xf32, #tpu.memory_space<vmem>>, vector<1x16xf32>,
    %get3A_141 = vector.shape_cast %get3A_140 : vector<1x16xf32> to vector<16xf32>
    %get3A_142 = arith.constant 0 : i32
    %get3A_143 = arith.index_cast %get3A_142 : i32 to index
    %get3A_144 = arith.constant 16 : index
    %get3A_145 = tpu.vector_load %arg10[%get3A_143, %get3A_144] {strides = array<i32>} : memref<1x1024xf32, #tpu.memory_space<vmem>>, vector<1x16xf32>,
    %get3A_146 = vector.shape_cast %get3A_145 : vector<1x16xf32> to vector<16xf32>
    %sub3A_147 = arith.subf %get3A_141, %get3A_146 : vector<16xf32>
    %swap3A_148 = arith.constant 16 : index
    %swap3A_149 = tpu.vector_load %arg11[%swap3A_148] {strides = array<i32>} : memref<1024xf32, #tpu.memory_space<vmem>>, vector<16xf32>,
    %swap3A_150 = vector.shape_cast %swap3A_149 : vector<16xf32> to vector<16xf32>
    %swap3A_151 = vector.shape_cast %sub3A_147 : vector<16xf32> to vector<16xf32>
    tpu.vector_store %arg11[%swap3A_148], %swap3A_151 {strides = array<i32>} : memref<1024xf32, #tpu.memory_space<vmem>>, vector<16xf32>,
    %get3A_152 = arith.constant 0 : i32
    %get3A_153 = arith.index_cast %get3A_152 : i32 to index
    %get3A_154 = arith.constant 32 : index
    %get3A_155 = tpu.vector_load %arg9[%get3A_153, %get3A_154] {strides = array<i32>} : memref<1x1024xf32, #tpu.memory_space<vmem>>, vector<1x16xf32>,
    %get3A_156 = vector.shape_cast %get3A_155 : vector<1x16xf32> to vector<16xf32>
    %get3A_157 = arith.constant 0 : i32
    %get3A_158 = arith.index_cast %get3A_157 : i32 to index
    %get3A_159 = arith.constant 32 : index
    %get3A_160 = tpu.vector_load %arg10[%get3A_158, %get3A_159] {strides = array<i32>} : memref<1x1024xf32, #tpu.memory_space<vmem>>, vector<1x16xf32>,
    %get3A_161 = vector.shape_cast %get3A_160 : vector<1x16xf32> to vector<16xf32>
    %sub3A_162 = arith.subf %get3A_156, %get3A_161 : vector<16xf32>
    %swap3A_163 = arith.constant 32 : index
    %swap3A_164 = tpu.vector_load %arg11[%swap3A_163] {strides = array<i32>} : memref<1024xf32, #tpu.memory_space<vmem>>, vector<16xf32>,
    %swap3A_165 = vector.shape_cast %swap3A_164 : vector<16xf32> to vector<16xf32>
    %swap3A_166 = vector.shape_cast %sub3A_162 : vector<16xf32> to vector<16xf32>
    tpu.vector_store %arg11[%swap3A_163], %swap3A_166 {strides = array<i32>} : memref<1024xf32, #tpu.memory_space<vmem>>, vector<16xf32>,
    %get3A_167 = arith.constant 0 : i32
    %get3A_168 = arith.index_cast %get3A_167 : i32 to index
    %get3A_169 = arith.constant 48 : index
    %get3A_170 = tpu.vector_load %arg9[%get3A_168, %get3A_169] {strides = array<i32>} : memref<1x1024xf32, #tpu.memory_space<vmem>>, vector<1x16xf32>,
    %get3A_171 = vector.shape_cast %get3A_170 : vector<1x16xf32> to vector<16xf32>
    %get3A_172 = arith.constant 0 : i32
    %get3A_173 = arith.index_cast %get3A_172 : i32 to index
    %get3A_174 = arith.constant 48 : index
    %get3A_175 = tpu.vector_load %arg10[%get3A_173, %get3A_174] {strides = array<i32>} : memref<1x1024xf32, #tpu.memory_space<vmem>>, vector<1x16xf32>,
    %get3A_176 = vector.shape_cast %get3A_175 : vector<1x16xf32> to vector<16xf32>
    %sub3A_177 = arith.subf %get3A_171, %get3A_176 : vector<16xf32>
    %swap3A_178 = arith.constant 48 : index
    %swap3A_179 = tpu.vector_load %arg11[%swap3A_178] {strides = array<i32>} : memref<1024xf32, #tpu.memory_space<vmem>>, vector<16xf32>,
    %swap3A_180 = vector.shape_cast %swap3A_179 : vector<16xf32> to vector<16xf32>
    %swap3A_181 = vector.shape_cast %sub3A_177 : vector<16xf32> to vector<16xf32>
    tpu.vector_store %arg11[%swap3A_178], %swap3A_181 {strides = array<i32>} : memref<1024xf32, #tpu.memory_space<vmem>>, vector<16xf32>,
    %get3A_182 = arith.constant 0 : i32
    %get3A_183 = arith.index_cast %get3A_182 : i32 to index
    %get3A_184 = arith.constant 64 : index
    %get3A_185 = tpu.vector_load %arg9[%get3A_183, %get3A_184] {strides = array<i32>} : memref<1x1024xf32, #tpu.memory_space<vmem>>, vector<1x16xf32>,
    %get3A_186 = vector.shape_cast %get3A_185 : vector<1x16xf32> to vector<16xf32>
    %get3A_187 = arith.constant 0 : i32
    %get3A_188 = arith.index_cast %get3A_187 : i32 to index
    %get3A_189 = arith.constant 64 : index
    %get3A_190 = tpu.vector_load %arg10[%get3A_188, %get3A_189] {strides = array<i32>} : memref<1x1024xf32, #tpu.memory_space<vmem>>, vector<1x16xf32>,
    %get3A_191 = vector.shape_cast %get3A_190 : vector<1x16xf32> to vector<16xf32>
    %sub3A_192 = arith.subf %get3A_186, %get3A_191 : vector<16xf32>
    %swap3A_193 = arith.constant 64 : index
    %swap3A_194 = tpu.vector_load %arg11[%swap3A_193] {strides = array<i32>} : memref<1024xf32, #tpu.memory_space<vmem>>, vector<16xf32>,
    %swap3A_195 = vector.shape_cast %swap3A_194 : vector<16xf32> to vector<16xf32>
    %swap3A_196 = vector.shape_cast %sub3A_192 : vector<16xf32> to vector<16xf32>
    tpu.vector_store %arg11[%swap3A_193], %swap3A_196 {strides = array<i32>} : memref<1024xf32, #tpu.memory_space<vmem>>, vector<16xf32>,
    %get3A_197 = arith.constant 0 : i32
    %get3A_198 = arith.index_cast %get3A_197 : i32 to index
    %get3A_199 = arith.constant 80 : index
    %get3A_200 = tpu.vector_load %arg9[%get3A_198, %get3A_199] {strides = array<i32>} : memref<1x1024xf32, #tpu.memory_space<vmem>>, vector<1x16xf32>,
    %get3A_201 = vector.shape_cast %get3A_200 : vector<1x16xf32> to vector<16xf32>
    %get3A_202 = arith.constant 0 : i32
    %get3A_203 = arith.index_cast %get3A_202 : i32 to index
    %get3A_204 = arith.constant 80 : index
    %get3A_205 = tpu.vector_load %arg10[%get3A_203, %get3A_204] {strides = array<i32>} : memref<1x1024xf32, #tpu.memory_space<vmem>>, vector<1x16xf32>,
    %get3A_206 = vector.shape_cast %get3A_205 : vector<1x16xf32> to vector<16xf32>
    %sub3A_207 = arith.subf %get3A_201, %get3A_206 : vector<16xf32>
    %swap3A_208 = arith.constant 80 : index
    %swap3A_209 = tpu.vector_load %arg11[%swap3A_208] {strides = array<i32>} : memref<1024xf32, #tpu.memory_space<vmem>>, vector<16xf32>,
    %swap3A_210 = vector.shape_cast %swap3A_209 : vector<16xf32> to vector<16xf32>
    %swap3A_211 = vector.shape_cast %sub3A_207 : vector<16xf32> to vector<16xf32>
    tpu.vector_store %arg11[%swap3A_208], %swap3A_211 {strides = array<i32>} : memref<1024xf32, #tpu.memory_space<vmem>>, vector<16xf32>,
    %get3A_212 = arith.constant 0 : i32
    %get3A_213 = arith.index_cast %get3A_212 : i32 to index
    %get3A_214 = arith.constant 96 : index
    %get3A_215 = tpu.vector_load %arg9[%get3A_213, %get3A_214] {strides = array<i32>} : memref<1x1024xf32, #tpu.memory_space<vmem>>, vector<1x16xf32>,
    %get3A_216 = vector.shape_cast %get3A_215 : vector<1x16xf32> to vector<16xf32>
    %get3A_217 = arith.constant 0 : i32
    %get3A_218 = arith.index_cast %get3A_217 : i32 to index
    %get3A_219 = arith.constant 96 : index
    %get3A_220 = tpu.vector_load %arg10[%get3A_218, %get3A_219] {strides = array<i32>} : memref<1x1024xf32, #tpu.memory_space<vmem>>, vector<1x16xf32>,
    %get3A_221 = vector.shape_cast %get3A_220 : vector<1x16xf32> to vector<16xf32>
    %sub3A_222 = arith.subf %get3A_216, %get3A_221 : vector<16xf32>
    %swap3A_223 = arith.constant 96 : index
    %swap3A_224 = tpu.vector_load %arg11[%swap3A_223] {strides = array<i32>} : memref<1024xf32, #tpu.memory_space<vmem>>, vector<16xf32>,
    %swap3A_225 = vector.shape_cast %swap3A_224 : vector<16xf32> to vector<16xf32>
    %swap3A_226 = vector.shape_cast %sub3A_222 : vector<16xf32> to vector<16xf32>
    tpu.vector_store %arg11[%swap3A_223], %swap3A_226 {strides = array<i32>} : memref<1024xf32, #tpu.memory_space<vmem>>, vector<16xf32>,
    %get3A_227 = arith.constant 0 : i32
    %get3A_228 = arith.index_cast %get3A_227 : i32 to index
    %get3A_229 = arith.constant 112 : index
    %get3A_230 = tpu.vector_load %arg9[%get3A_228, %get3A_229] {strides = array<i32>} : memref<1x1024xf32, #tpu.memory_space<vmem>>, vector<1x16xf32>,
    %get3A_231 = vector.shape_cast %get3A_230 : vector<1x16xf32> to vector<16xf32>
    %get3A_232 = arith.constant 0 : i32
    %get3A_233 = arith.index_cast %get3A_232 : i32 to index
    %get3A_234 = arith.constant 112 : index
    %get3A_235 = tpu.vector_load %arg10[%get3A_233, %get3A_234] {strides = array<i32>} : memref<1x1024xf32, #tpu.memory_space<vmem>>, vector<1x16xf32>,
    %get3A_236 = vector.shape_cast %get3A_235 : vector<1x16xf32> to vector<16xf32>
    %sub3A_237 = arith.subf %get3A_231, %get3A_236 : vector<16xf32>
    %swap3A_238 = arith.constant 112 : index
    %swap3A_239 = tpu.vector_load %arg11[%swap3A_238] {strides = array<i32>} : memref<1024xf32, #tpu.memory_space<vmem>>, vector<16xf32>,
    %swap3A_240 = vector.shape_cast %swap3A_239 : vector<16xf32> to vector<16xf32>
    %swap3A_241 = vector.shape_cast %sub3A_237 : vector<16xf32> to vector<16xf32>
    tpu.vector_store %arg11[%swap3A_238], %swap3A_241 {strides = array<i32>} : memref<1024xf32, #tpu.memory_space<vmem>>, vector<16xf32>,
    %get3A_242 = arith.constant 0 : i32
    %get3A_243 = arith.index_cast %get3A_242 : i32 to index
    %get3A_244 = arith.constant 128 : index
    %get3A_245 = tpu.vector_load %arg9[%get3A_243, %get3A_244] {strides = array<i32>} : memref<1x1024xf32, #tpu.memory_space<vmem>>, vector<1x16xf32>,
    %get3A_246 = vector.shape_cast %get3A_245 : vector<1x16xf32> to vector<16xf32>
    %get3A_247 = arith.constant 0 : i32
    %get3A_248 = arith.index_cast %get3A_247 : i32 to index
    %get3A_249 = arith.constant 128 : index
    %get3A_250 = tpu.vector_load %arg10[%get3A_248, %get3A_249] {strides = array<i32>} : memref<1x1024xf32, #tpu.memory_space<vmem>>, vector<1x16xf32>,
    %get3A_251 = vector.shape_cast %get3A_250 : vector<1x16xf32> to vector<16xf32>
    %sub3A_252 = arith.subf %get3A_246, %get3A_251 : vector<16xf32>
    %swap3A_253 = arith.constant 128 : index
    %swap3A_254 = tpu.vector_load %arg11[%swap3A_253] {strides = array<i32>} : memref<1024xf32, #tpu.memory_space<vmem>>, vector<16xf32>,
    %swap3A_255 = vector.shape_cast %swap3A_254 : vector<16xf32> to vector<16xf32>
    %swap3A_256 = vector.shape_cast %sub3A_252 : vector<16xf32> to vector<16xf32>
    tpu.vector_store %arg11[%swap3A_253], %swap3A_256 {strides = array<i32>} : memref<1024xf32, #tpu.memory_space<vmem>>, vector<16xf32>,
    %get3A_257 = arith.constant 0 : i32
    %get3A_258 = arith.index_cast %get3A_257 : i32 to index
    %get3A_259 = arith.constant 144 : index
    %get3A_260 = tpu.vector_load %arg9[%get3A_258, %get3A_259] {strides = array<i32>} : memref<1x1024xf32, #tpu.memory_space<vmem>>, vector<1x16xf32>,
    %get3A_261 = vector.shape_cast %get3A_260 : vector<1x16xf32> to vector<16xf32>
    %get3A_262 = arith.constant 0 : i32
    %get3A_263 = arith.index_cast %get3A_262 : i32 to index
    %get3A_264 = arith.constant 144 : index
    %get3A_265 = tpu.vector_load %arg10[%get3A_263, %get3A_264] {strides = array<i32>} : memref<1x1024xf32, #tpu.memory_space<vmem>>, vector<1x16xf32>,
    %get3A_266 = vector.shape_cast %get3A_265 : vector<1x16xf32> to vector<16xf32>
    %sub3A_267 = arith.subf %get3A_261, %get3A_266 : vector<16xf32>
    %swap3A_268 = arith.constant 144 : index
    %swap3A_269 = tpu.vector_load %arg11[%swap3A_268] {strides = array<i32>} : memref<1024xf32, #tpu.memory_space<vmem>>, vector<16xf32>,
    %swap3A_270 = vector.shape_cast %swap3A_269 : vector<16xf32> to vector<16xf32>
    %swap3A_271 = vector.shape_cast %sub3A_267 : vector<16xf32> to vector<16xf32>
    tpu.vector_store %arg11[%swap3A_268], %swap3A_271 {strides = array<i32>} : memref<1024xf32, #tpu.memory_space<vmem>>, vector<16xf32>,
    %get3A_272 = arith.constant 0 : i32
    %get3A_273 = arith.index_cast %get3A_272 : i32 to index
    %get3A_274 = arith.constant 160 : index
    %get3A_275 = tpu.vector_load %arg9[%get3A_273, %get3A_274] {strides = array<i32>} : memref<1x1024xf32, #tpu.memory_space<vmem>>, vector<1x16xf32>,
    %get3A_276 = vector.shape_cast %get3A_275 : vector<1x16xf32> to vector<16xf32>
    %get3A_277 = arith.constant 0 : i32
    %get3A_278 = arith.index_cast %get3A_277 : i32 to index
    %get3A_279 = arith.constant 160 : index
    %get3A_280 = tpu.vector_load %arg10[%get3A_278, %get3A_279] {strides = array<i32>} : memref<1x1024xf32, #tpu.memory_space<vmem>>, vector<1x16xf32>,
    %get3A_281 = vector.shape_cast %get3A_280 : vector<1x16xf32> to vector<16xf32>
    %sub3A_282 = arith.subf %get3A_276, %get3A_281 : vector<16xf32>
    %swap3A_283 = arith.constant 160 : index
    %swap3A_284 = tpu.vector_load %arg11[%swap3A_283] {strides = array<i32>} : memref<1024xf32, #tpu.memory_space<vmem>>, vector<16xf32>,
    %swap3A_285 = vector.shape_cast %swap3A_284 : vector<16xf32> to vector<16xf32>
    %swap3A_286 = vector.shape_cast %sub3A_282 : vector<16xf32> to vector<16xf32>
    tpu.vector_store %arg11[%swap3A_283], %swap3A_286 {strides = array<i32>} : memref<1024xf32, #tpu.memory_space<vmem>>, vector<16xf32>,
    %get3A_287 = arith.constant 0 : i32
    %get3A_288 = arith.index_cast %get3A_287 : i32 to index
    %get3A_289 = arith.constant 176 : index
    %get3A_290 = tpu.vector_load %arg9[%get3A_288, %get3A_289] {strides = array<i32>} : memref<1x1024xf32, #tpu.memory_space<vmem>>, vector<1x16xf32>,
    %get3A_291 = vector.shape_cast %get3A_290 : vector<1x16xf32> to vector<16xf32>
    %get3A_292 = arith.constant 0 : i32
    %get3A_293 = arith.index_cast %get3A_292 : i32 to index
    %get3A_294 = arith.constant 176 : index
    %get3A_295 = tpu.vector_load %arg10[%get3A_293, %get3A_294] {strides = array<i32>} : memref<1x1024xf32, #tpu.memory_space<vmem>>, vector<1x16xf32>,
    %get3A_296 = vector.shape_cast %get3A_295 : vector<1x16xf32> to vector<16xf32>
    %sub3A_297 = arith.subf %get3A_291, %get3A_296 : vector<16xf32>
    %swap3A_298 = arith.constant 176 : index
    %swap3A_299 = tpu.vector_load %arg11[%swap3A_298] {strides = array<i32>} : memref<1024xf32, #tpu.memory_space<vmem>>, vector<16xf32>,
    %swap3A_300 = vector.shape_cast %swap3A_299 : vector<16xf32> to vector<16xf32>
    %swap3A_301 = vector.shape_cast %sub3A_297 : vector<16xf32> to vector<16xf32>
    tpu.vector_store %arg11[%swap3A_298], %swap3A_301 {strides = array<i32>} : memref<1024xf32, #tpu.memory_space<vmem>>, vector<16xf32>,
    %get3A_302 = arith.constant 0 : i32
    %get3A_303 = arith.index_cast %get3A_302 : i32 to index
    %get3A_304 = arith.constant 192 : index
    %get3A_305 = tpu.vector_load %arg9[%get3A_303, %get3A_304] {strides = array<i32>} : memref<1x1024xf32, #tpu.memory_space<vmem>>, vector<1x16xf32>,
    %get3A_306 = vector.shape_cast %get3A_305 : vector<1x16xf32> to vector<16xf32>
    %get3A_307 = arith.constant 0 : i32
    %get3A_308 = arith.index_cast %get3A_307 : i32 to index
    %get3A_309 = arith.constant 192 : index
    %get3A_310 = tpu.vector_load %arg10[%get3A_308, %get3A_309] {strides = array<i32>} : memref<1x1024xf32, #tpu.memory_space<vmem>>, vector<1x16xf32>,
    %get3A_311 = vector.shape_cast %get3A_310 : vector<1x16xf32> to vector<16xf32>
    %sub3A_312 = arith.subf %get3A_306, %get3A_311 : vector<16xf32>
    %swap3A_313 = arith.constant 192 : index
    %swap3A_314 = tpu.vector_load %arg11[%swap3A_313] {strides = array<i32>} : memref<1024xf32, #tpu.memory_space<vmem>>, vector<16xf32>,
    %swap3A_315 = vector.shape_cast %swap3A_314 : vector<16xf32> to vector<16xf32>
    %swap3A_316 = vector.shape_cast %sub3A_312 : vector<16xf32> to vector<16xf32>
    tpu.vector_store %arg11[%swap3A_313], %swap3A_316 {strides = array<i32>} : memref<1024xf32, #tpu.memory_space<vmem>>, vector<16xf32>,
    %get3A_317 = arith.constant 0 : i32
    %get3A_318 = arith.index_cast %get3A_317 : i32 to index
    %get3A_319 = arith.constant 208 : index
    %get3A_320 = tpu.vector_load %arg9[%get3A_318, %get3A_319] {strides = array<i32>} : memref<1x1024xf32, #tpu.memory_space<vmem>>, vector<1x16xf32>,
    %get3A_321 = vector.shape_cast %get3A_320 : vector<1x16xf32> to vector<16xf32>
    %get3A_322 = arith.constant 0 : i32
    %get3A_323 = arith.index_cast %get3A_322 : i32 to index
    %get3A_324 = arith.constant 208 : index
    %get3A_325 = tpu.vector_load %arg10[%get3A_323, %get3A_324] {strides = array<i32>} : memref<1x1024xf32, #tpu.memory_space<vmem>>, vector<1x16xf32>,
    %get3A_326 = vector.shape_cast %get3A_325 : vector<1x16xf32> to vector<16xf32>
    %sub3A_327 = arith.subf %get3A_321, %get3A_326 : vector<16xf32>
    %swap3A_328 = arith.constant 208 : index
    %swap3A_329 = tpu.vector_load %arg11[%swap3A_328] {strides = array<i32>} : memref<1024xf32, #tpu.memory_space<vmem>>, vector<16xf32>,
    %swap3A_330 = vector.shape_cast %swap3A_329 : vector<16xf32> to vector<16xf32>
    %swap3A_331 = vector.shape_cast %sub3A_327 : vector<16xf32> to vector<16xf32>
    tpu.vector_store %arg11[%swap3A_328], %swap3A_331 {strides = array<i32>} : memref<1024xf32, #tpu.memory_space<vmem>>, vector<16xf32>,
    %get3A_332 = arith.constant 0 : i32
    %get3A_333 = arith.index_cast %get3A_332 : i32 to index
    %get3A_334 = arith.constant 224 : index
    %get3A_335 = tpu.vector_load %arg9[%get3A_333, %get3A_334] {strides = array<i32>} : memref<1x1024xf32, #tpu.memory_space<vmem>>, vector<1x16xf32>,
    %get3A_336 = vector.shape_cast %get3A_335 : vector<1x16xf32> to vector<16xf32>
    %get3A_337 = arith.constant 0 : i32
    %get3A_338 = arith.index_cast %get3A_337 : i32 to index
    %get3A_339 = arith.constant 224 : index
    %get3A_340 = tpu.vector_load %arg10[%get3A_338, %get3A_339] {strides = array<i32>} : memref<1x1024xf32, #tpu.memory_space<vmem>>, vector<1x16xf32>,
    %get3A_341 = vector.shape_cast %get3A_340 : vector<1x16xf32> to vector<16xf32>
    %sub3A_342 = arith.subf %get3A_336, %get3A_341 : vector<16xf32>
    %swap3A_343 = arith.constant 224 : index
    %swap3A_344 = tpu.vector_load %arg11[%swap3A_343] {strides = array<i32>} : memref<1024xf32, #tpu.memory_space<vmem>>, vector<16xf32>,
    %swap3A_345 = vector.shape_cast %swap3A_344 : vector<16xf32> to vector<16xf32>
    %swap3A_346 = vector.shape_cast %sub3A_342 : vector<16xf32> to vector<16xf32>
    tpu.vector_store %arg11[%swap3A_343], %swap3A_346 {strides = array<i32>} : memref<1024xf32, #tpu.memory_space<vmem>>, vector<16xf32>,
    %get3A_347 = arith.constant 0 : i32
    %get3A_348 = arith.index_cast %get3A_347 : i32 to index
    %get3A_349 = arith.constant 240 : index
    %get3A_350 = tpu.vector_load %arg9[%get3A_348, %get3A_349] {strides = array<i32>} : memref<1x1024xf32, #tpu.memory_space<vmem>>, vector<1x16xf32>,
    %get3A_351 = vector.shape_cast %get3A_350 : vector<1x16xf32> to vector<16xf32>
    %get3A_352 = arith.constant 0 : i32
    %get3A_353 = arith.index_cast %get3A_352 : i32 to index
    %get3A_354 = arith.constant 240 : index
    %get3A_355 = tpu.vector_load %arg10[%get3A_353, %get3A_354] {strides = array<i32>} : memref<1x1024xf32, #tpu.memory_space<vmem>>, vector<1x16xf32>,
    %get3A_356 = vector.shape_cast %get3A_355 : vector<1x16xf32> to vector<16xf32>
    %sub3A_357 = arith.subf %get3A_351, %get3A_356 : vector<16xf32>
    %swap3A_358 = arith.constant 240 : index
    %swap3A_359 = tpu.vector_load %arg11[%swap3A_358] {strides = array<i32>} : memref<1024xf32, #tpu.memory_space<vmem>>, vector<16xf32>,
    %swap3A_360 = vector.shape_cast %swap3A_359 : vector<16xf32> to vector<16xf32>
    %swap3A_361 = vector.shape_cast %sub3A_357 : vector<16xf32> to vector<16xf32>
    tpu.vector_store %arg11[%swap3A_358], %swap3A_361 {strides = array<i32>} : memref<1024xf32, #tpu.memory_space<vmem>>, vector<16xf32>,
    %add3A = arith.constant 0 : i32
    %add3A_362 = arith.addi %mul3A_0, %add3A : i32
    %dma_start3A_363 = arith.constant 0 : i32
    %dma_start3A_364 = tpu.memref_slice %arg11[%dma_start3A_363] : memref<1024xf32, #tpu.memory_space<vmem>> -> memref<256xf32, #tpu.memory_space<vmem>>
    %dma_start3A_365 = tpu.memref_slice %arg6[%add3A_362] : memref<16384xf32, #tpu.memory_space<hbm>> -> memref<256xf32, #tpu.memory_space<hbm>>
    %dma_start3A_366 = tpu.memref_slice %arg6[%add3A_362] : memref<16384xf32, #tpu.memory_space<hbm>> -> memref<256xf32, #tpu.memory_space<hbm>>
    %dma_start3A_367 = arith.constant 0 : i32
    %dma_start3A_368 = tpu.memref_slice %arg11[%dma_start3A_367] : memref<1024xf32, #tpu.memory_space<vmem>> -> memref<256xf32, #tpu.memory_space<vmem>>
    tpu.enqueue_dma source(%dma_start3A_368 : memref<256xf32, #tpu.memory_space<vmem>>) target(%dma_start3A_366 : memref<256xf32, #tpu.memory_space<hbm>>) target_semaphore(%arg14 : memref<!tpu.dma_semaphore, #tpu.memory_space<semaphore_mem>>)
    %dma_wait3A_369 = arith.constant 0 : i32
    %dma_wait3A_370 = arith.constant 256 : i32
    %dma_wait3A_371 = tpu.memref_slice %arg9[%dma_wait3A_369, %dma_wait3A_370] : memref<1x1024xf32, #tpu.memory_space<vmem>> -> memref<1x256xf32, #tpu.memory_space<vmem>>
    %dma_wait3A_372 = arith.constant 0 : i32
    %dma_wait3A_373 = arith.constant 256 : i32
    %dma_wait3A_374 = tpu.memref_slice %arg7[%dma_wait3A_372, %dma_wait3A_373] : memref<1x1024xi32, #tpu.memory_space<vmem>> -> memref<1x256xi32, #tpu.memory_space<vmem>>
    %dma_wait3A_375 = arith.constant 0 : i32
    %dma_wait3A_376 = arith.constant 0 : i32
    %dma_wait3A_377 = tpu.memref_slice %arg4[%dma_wait3A_375, %dma_wait3A_376] : memref<1x100000xf32, #tpu.memory_space<hbm>> -> memref<1x100000xf32, #tpu.memory_space<hbm>>
    tpu.wait_indirect_dma semaphore(%arg15 : memref<!tpu.dma_semaphore, #tpu.memory_space<semaphore_mem>>) src(%dma_wait3A_377 : memref<1x100000xf32, #tpu.memory_space<hbm>>) dst(%dma_wait3A_371 : memref<1x256xf32, #tpu.memory_space<vmem>>)
    %dma_wait3A_378 = arith.constant 0 : i32
    %dma_wait3A_379 = arith.constant 256 : i32
    %dma_wait3A_380 = tpu.memref_slice %arg10[%dma_wait3A_378, %dma_wait3A_379] : memref<1x1024xf32, #tpu.memory_space<vmem>> -> memref<1x256xf32, #tpu.memory_space<vmem>>
    %dma_wait3A_381 = arith.constant 0 : i32
    %dma_wait3A_382 = arith.constant 256 : i32
    %dma_wait3A_383 = tpu.memref_slice %arg8[%dma_wait3A_381, %dma_wait3A_382] : memref<1x1024xi32, #tpu.memory_space<vmem>> -> memref<1x256xi32, #tpu.memory_space<vmem>>
    %dma_wait3A_384 = arith.constant 0 : i32
    %dma_wait3A_385 = arith.constant 0 : i32
    %dma_wait3A_386 = tpu.memref_slice %arg5[%dma_wait3A_384, %dma_wait3A_385] : memref<1x1000000xf32, #tpu.memory_space<hbm>> -> memref<1x1000000xf32, #tpu.memory_space<hbm>>
    tpu.wait_indirect_dma semaphore(%arg15 : memref<!tpu.dma_semaphore, #tpu.memory_space<semaphore_mem>>) src(%dma_wait3A_386 : memref<1x1000000xf32, #tpu.memory_space<hbm>>) dst(%dma_wait3A_380 : memref<1x256xf32, #tpu.memory_space<vmem>>)
    %get3A_387 = arith.constant 0 : i32
    %get3A_388 = arith.index_cast %get3A_387 : i32 to index
    %get3A_389 = arith.constant 256 : index
    %get3A_390 = tpu.vector_load %arg9[%get3A_388, %get3A_389] {strides = array<i32>} : memref<1x1024xf32, #tpu.memory_space<vmem>>, vector<1x16xf32>,
    %get3A_391 = vector.shape_cast %get3A_390 : vector<1x16xf32> to vector<16xf32>
    %get3A_392 = arith.constant 0 : i32
    %get3A_393 = arith.index_cast %get3A_392 : i32 to index
    %get3A_394 = arith.constant 256 : index
    %get3A_395 = tpu.vector_load %arg10[%get3A_393, %get3A_394] {strides = array<i32>} : memref<1x1024xf32, #tpu.memory_space<vmem>>, vector<1x16xf32>,
    %get3A_396 = vector.shape_cast %get3A_395 : vector<1x16xf32> to vector<16xf32>
    %sub3A_397 = arith.subf %get3A_391, %get3A_396 : vector<16xf32>
    %swap3A_398 = arith.constant 256 : index
    %swap3A_399 = tpu.vector_load %arg11[%swap3A_398] {strides = array<i32>} : memref<1024xf32, #tpu.memory_space<vmem>>, vector<16xf32>,
    %swap3A_400 = vector.shape_cast %swap3A_399 : vector<16xf32> to vector<16xf32>
    %swap3A_401 = vector.shape_cast %sub3A_397 : vector<16xf32> to vector<16xf32>
    tpu.vector_store %arg11[%swap3A_398], %swap3A_401 {strides = array<i32>} : memref<1024xf32, #tpu.memory_space<vmem>>, vector<16xf32>,
    %get3A_402 = arith.constant 0 : i32
    %get3A_403 = arith.index_cast %get3A_402 : i32 to index
    %get3A_404 = arith.constant 272 : index
    %get3A_405 = tpu.vector_load %arg9[%get3A_403, %get3A_404] {strides = array<i32>} : memref<1x1024xf32, #tpu.memory_space<vmem>>, vector<1x16xf32>,
    %get3A_406 = vector.shape_cast %get3A_405 : vector<1x16xf32> to vector<16xf32>
    %get3A_407 = arith.constant 0 : i32
    %get3A_408 = arith.index_cast %get3A_407 : i32 to index
    %get3A_409 = arith.constant 272 : index
    %get3A_410 = tpu.vector_load %arg10[%get3A_408, %get3A_409] {strides = array<i32>} : memref<1x1024xf32, #tpu.memory_space<vmem>>, vector<1x16xf32>,
    %get3A_411 = vector.shape_cast %get3A_410 : vector<1x16xf32> to vector<16xf32>
    %sub3A_412 = arith.subf %get3A_406, %get3A_411 : vector<16xf32>
    %swap3A_413 = arith.constant 272 : index
    %swap3A_414 = tpu.vector_load %arg11[%swap3A_413] {strides = array<i32>} : memref<1024xf32, #tpu.memory_space<vmem>>, vector<16xf32>,
    %swap3A_415 = vector.shape_cast %swap3A_414 : vector<16xf32> to vector<16xf32>
    %swap3A_416 = vector.shape_cast %sub3A_412 : vector<16xf32> to vector<16xf32>
    tpu.vector_store %arg11[%swap3A_413], %swap3A_416 {strides = array<i32>} : memref<1024xf32, #tpu.memory_space<vmem>>, vector<16xf32>,
    %get3A_417 = arith.constant 0 : i32
    %get3A_418 = arith.index_cast %get3A_417 : i32 to index
    %get3A_419 = arith.constant 288 : index
    %get3A_420 = tpu.vector_load %arg9[%get3A_418, %get3A_419] {strides = array<i32>} : memref<1x1024xf32, #tpu.memory_space<vmem>>, vector<1x16xf32>,
    %get3A_421 = vector.shape_cast %get3A_420 : vector<1x16xf32> to vector<16xf32>
    %get3A_422 = arith.constant 0 : i32
    %get3A_423 = arith.index_cast %get3A_422 : i32 to index
    %get3A_424 = arith.constant 288 : index
    %get3A_425 = tpu.vector_load %arg10[%get3A_423, %get3A_424] {strides = array<i32>} : memref<1x1024xf32, #tpu.memory_space<vmem>>, vector<1x16xf32>,
    %get3A_426 = vector.shape_cast %get3A_425 : vector<1x16xf32> to vector<16xf32>
    %sub3A_427 = arith.subf %get3A_421, %get3A_426 : vector<16xf32>
    %swap3A_428 = arith.constant 288 : index
    %swap3A_429 = tpu.vector_load %arg11[%swap3A_428] {strides = array<i32>} : memref<1024xf32, #tpu.memory_space<vmem>>, vector<16xf32>,
    %swap3A_430 = vector.shape_cast %swap3A_429 : vector<16xf32> to vector<16xf32>
    %swap3A_431 = vector.shape_cast %sub3A_427 : vector<16xf32> to vector<16xf32>
    tpu.vector_store %arg11[%swap3A_428], %swap3A_431 {strides = array<i32>} : memref<1024xf32, #tpu.memory_space<vmem>>, vector<16xf32>,
    %get3A_432 = arith.constant 0 : i32
    %get3A_433 = arith.index_cast %get3A_432 : i32 to index
    %get3A_434 = arith.constant 304 : index
    %get3A_435 = tpu.vector_load %arg9[%get3A_433, %get3A_434] {strides = array<i32>} : memref<1x1024xf32, #tpu.memory_space<vmem>>, vector<1x16xf32>,
    %get3A_436 = vector.shape_cast %get3A_435 : vector<1x16xf32> to vector<16xf32>
    %get3A_437 = arith.constant 0 : i32
    %get3A_438 = arith.index_cast %get3A_437 : i32 to index
    %get3A_439 = arith.constant 304 : index
    %get3A_440 = tpu.vector_load %arg10[%get3A_438, %get3A_439] {strides = array<i32>} : memref<1x1024xf32, #tpu.memory_space<vmem>>, vector<1x16xf32>,
    %get3A_441 = vector.shape_cast %get3A_440 : vector<1x16xf32> to vector<16xf32>
    %sub3A_442 = arith.subf %get3A_436, %get3A_441 : vector<16xf32>
    %swap3A_443 = arith.constant 304 : index
    %swap3A_444 = tpu.vector_load %arg11[%swap3A_443] {strides = array<i32>} : memref<1024xf32, #tpu.memory_space<vmem>>, vector<16xf32>,
    %swap3A_445 = vector.shape_cast %swap3A_444 : vector<16xf32> to vector<16xf32>
    %swap3A_446 = vector.shape_cast %sub3A_442 : vector<16xf32> to vector<16xf32>
    tpu.vector_store %arg11[%swap3A_443], %swap3A_446 {strides = array<i32>} : memref<1024xf32, #tpu.memory_space<vmem>>, vector<16xf32>,
    %get3A_447 = arith.constant 0 : i32
    %get3A_448 = arith.index_cast %get3A_447 : i32 to index
    %get3A_449 = arith.constant 320 : index
    %get3A_450 = tpu.vector_load %arg9[%get3A_448, %get3A_449] {strides = array<i32>} : memref<1x1024xf32, #tpu.memory_space<vmem>>, vector<1x16xf32>,
    %get3A_451 = vector.shape_cast %get3A_450 : vector<1x16xf32> to vector<16xf32>
    %get3A_452 = arith.constant 0 : i32
    %get3A_453 = arith.index_cast %get3A_452 : i32 to index
    %get3A_454 = arith.constant 320 : index
    %get3A_455 = tpu.vector_load %arg10[%get3A_453, %get3A_454] {strides = array<i32>} : memref<1x1024xf32, #tpu.memory_space<vmem>>, vector<1x16xf32>,
    %get3A_456 = vector.shape_cast %get3A_455 : vector<1x16xf32> to vector<16xf32>
    %sub3A_457 = arith.subf %get3A_451, %get3A_456 : vector<16xf32>
    %swap3A_458 = arith.constant 320 : index
    %swap3A_459 = tpu.vector_load %arg11[%swap3A_458] {strides = array<i32>} : memref<1024xf32, #tpu.memory_space<vmem>>, vector<16xf32>,
    %swap3A_460 = vector.shape_cast %swap3A_459 : vector<16xf32> to vector<16xf32>
    %swap3A_461 = vector.shape_cast %sub3A_457 : vector<16xf32> to vector<16xf32>
    tpu.vector_store %arg11[%swap3A_458], %swap3A_461 {strides = array<i32>} : memref<1024xf32, #tpu.memory_space<vmem>>, vector<16xf32>,
    %get3A_462 = arith.constant 0 : i32
    %get3A_463 = arith.index_cast %get3A_462 : i32 to index
    %get3A_464 = arith.constant 336 : index
    %get3A_465 = tpu.vector_load %arg9[%get3A_463, %get3A_464] {strides = array<i32>} : memref<1x1024xf32, #tpu.memory_space<vmem>>, vector<1x16xf32>,
    %get3A_466 = vector.shape_cast %get3A_465 : vector<1x16xf32> to vector<16xf32>
    %get3A_467 = arith.constant 0 : i32
    %get3A_468 = arith.index_cast %get3A_467 : i32 to index
    %get3A_469 = arith.constant 336 : index
    %get3A_470 = tpu.vector_load %arg10[%get3A_468, %get3A_469] {strides = array<i32>} : memref<1x1024xf32, #tpu.memory_space<vmem>>, vector<1x16xf32>,
    %get3A_471 = vector.shape_cast %get3A_470 : vector<1x16xf32> to vector<16xf32>
    %sub3A_472 = arith.subf %get3A_466, %get3A_471 : vector<16xf32>
    %swap3A_473 = arith.constant 336 : index
    %swap3A_474 = tpu.vector_load %arg11[%swap3A_473] {strides = array<i32>} : memref<1024xf32, #tpu.memory_space<vmem>>, vector<16xf32>,
    %swap3A_475 = vector.shape_cast %swap3A_474 : vector<16xf32> to vector<16xf32>
    %swap3A_476 = vector.shape_cast %sub3A_472 : vector<16xf32> to vector<16xf32>
    tpu.vector_store %arg11[%swap3A_473], %swap3A_476 {strides = array<i32>} : memref<1024xf32, #tpu.memory_space<vmem>>, vector<16xf32>,
    %get3A_477 = arith.constant 0 : i32
    %get3A_478 = arith.index_cast %get3A_477 : i32 to index
    %get3A_479 = arith.constant 352 : index
    %get3A_480 = tpu.vector_load %arg9[%get3A_478, %get3A_479] {strides = array<i32>} : memref<1x1024xf32, #tpu.memory_space<vmem>>, vector<1x16xf32>,
    %get3A_481 = vector.shape_cast %get3A_480 : vector<1x16xf32> to vector<16xf32>
    %get3A_482 = arith.constant 0 : i32
    %get3A_483 = arith.index_cast %get3A_482 : i32 to index
    %get3A_484 = arith.constant 352 : index
    %get3A_485 = tpu.vector_load %arg10[%get3A_483, %get3A_484] {strides = array<i32>} : memref<1x1024xf32, #tpu.memory_space<vmem>>, vector<1x16xf32>,
    %get3A_486 = vector.shape_cast %get3A_485 : vector<1x16xf32> to vector<16xf32>
    %sub3A_487 = arith.subf %get3A_481, %get3A_486 : vector<16xf32>
    %swap3A_488 = arith.constant 352 : index
    %swap3A_489 = tpu.vector_load %arg11[%swap3A_488] {strides = array<i32>} : memref<1024xf32, #tpu.memory_space<vmem>>, vector<16xf32>,
    %swap3A_490 = vector.shape_cast %swap3A_489 : vector<16xf32> to vector<16xf32>
    %swap3A_491 = vector.shape_cast %sub3A_487 : vector<16xf32> to vector<16xf32>
    tpu.vector_store %arg11[%swap3A_488], %swap3A_491 {strides = array<i32>} : memref<1024xf32, #tpu.memory_space<vmem>>, vector<16xf32>,
    %get3A_492 = arith.constant 0 : i32
    %get3A_493 = arith.index_cast %get3A_492 : i32 to index
    %get3A_494 = arith.constant 368 : index
    %get3A_495 = tpu.vector_load %arg9[%get3A_493, %get3A_494] {strides = array<i32>} : memref<1x1024xf32, #tpu.memory_space<vmem>>, vector<1x16xf32>,
    %get3A_496 = vector.shape_cast %get3A_495 : vector<1x16xf32> to vector<16xf32>
    %get3A_497 = arith.constant 0 : i32
    %get3A_498 = arith.index_cast %get3A_497 : i32 to index
    %get3A_499 = arith.constant 368 : index
    %get3A_500 = tpu.vector_load %arg10[%get3A_498, %get3A_499] {strides = array<i32>} : memref<1x1024xf32, #tpu.memory_space<vmem>>, vector<1x16xf32>,
    %get3A_501 = vector.shape_cast %get3A_500 : vector<1x16xf32> to vector<16xf32>
    %sub3A_502 = arith.subf %get3A_496, %get3A_501 : vector<16xf32>
    %swap3A_503 = arith.constant 368 : index
    %swap3A_504 = tpu.vector_load %arg11[%swap3A_503] {strides = array<i32>} : memref<1024xf32, #tpu.memory_space<vmem>>, vector<16xf32>,
    %swap3A_505 = vector.shape_cast %swap3A_504 : vector<16xf32> to vector<16xf32>
    %swap3A_506 = vector.shape_cast %sub3A_502 : vector<16xf32> to vector<16xf32>
    tpu.vector_store %arg11[%swap3A_503], %swap3A_506 {strides = array<i32>} : memref<1024xf32, #tpu.memory_space<vmem>>, vector<16xf32>,
    %get3A_507 = arith.constant 0 : i32
    %get3A_508 = arith.index_cast %get3A_507 : i32 to index
    %get3A_509 = arith.constant 384 : index
    %get3A_510 = tpu.vector_load %arg9[%get3A_508, %get3A_509] {strides = array<i32>} : memref<1x1024xf32, #tpu.memory_space<vmem>>, vector<1x16xf32>,
    %get3A_511 = vector.shape_cast %get3A_510 : vector<1x16xf32> to vector<16xf32>
    %get3A_512 = arith.constant 0 : i32
    %get3A_513 = arith.index_cast %get3A_512 : i32 to index
    %get3A_514 = arith.constant 384 : index
    %get3A_515 = tpu.vector_load %arg10[%get3A_513, %get3A_514] {strides = array<i32>} : memref<1x1024xf32, #tpu.memory_space<vmem>>, vector<1x16xf32>,
    %get3A_516 = vector.shape_cast %get3A_515 : vector<1x16xf32> to vector<16xf32>
    %sub3A_517 = arith.subf %get3A_511, %get3A_516 : vector<16xf32>
    %swap3A_518 = arith.constant 384 : index
    %swap3A_519 = tpu.vector_load %arg11[%swap3A_518] {strides = array<i32>} : memref<1024xf32, #tpu.memory_space<vmem>>, vector<16xf32>,
    %swap3A_520 = vector.shape_cast %swap3A_519 : vector<16xf32> to vector<16xf32>
    %swap3A_521 = vector.shape_cast %sub3A_517 : vector<16xf32> to vector<16xf32>
    tpu.vector_store %arg11[%swap3A_518], %swap3A_521 {strides = array<i32>} : memref<1024xf32, #tpu.memory_space<vmem>>, vector<16xf32>,
    %get3A_522 = arith.constant 0 : i32
    %get3A_523 = arith.index_cast %get3A_522 : i32 to index
    %get3A_524 = arith.constant 400 : index
    %get3A_525 = tpu.vector_load %arg9[%get3A_523, %get3A_524] {strides = array<i32>} : memref<1x1024xf32, #tpu.memory_space<vmem>>, vector<1x16xf32>,
    %get3A_526 = vector.shape_cast %get3A_525 : vector<1x16xf32> to vector<16xf32>
    %get3A_527 = arith.constant 0 : i32
    %get3A_528 = arith.index_cast %get3A_527 : i32 to index
    %get3A_529 = arith.constant 400 : index
    %get3A_530 = tpu.vector_load %arg10[%get3A_528, %get3A_529] {strides = array<i32>} : memref<1x1024xf32, #tpu.memory_space<vmem>>, vector<1x16xf32>,
    %get3A_531 = vector.shape_cast %get3A_530 : vector<1x16xf32> to vector<16xf32>
    %sub3A_532 = arith.subf %get3A_526, %get3A_531 : vector<16xf32>
    %swap3A_533 = arith.constant 400 : index
    %swap3A_534 = tpu.vector_load %arg11[%swap3A_533] {strides = array<i32>} : memref<1024xf32, #tpu.memory_space<vmem>>, vector<16xf32>,
    %swap3A_535 = vector.shape_cast %swap3A_534 : vector<16xf32> to vector<16xf32>
    %swap3A_536 = vector.shape_cast %sub3A_532 : vector<16xf32> to vector<16xf32>
    tpu.vector_store %arg11[%swap3A_533], %swap3A_536 {strides = array<i32>} : memref<1024xf32, #tpu.memory_space<vmem>>, vector<16xf32>,
    %get3A_537 = arith.constant 0 : i32
    %get3A_538 = arith.index_cast %get3A_537 : i32 to index
    %get3A_539 = arith.constant 416 : index
    %get3A_540 = tpu.vector_load %arg9[%get3A_538, %get3A_539] {strides = array<i32>} : memref<1x1024xf32, #tpu.memory_space<vmem>>, vector<1x16xf32>,
    %get3A_541 = vector.shape_cast %get3A_540 : vector<1x16xf32> to vector<16xf32>
    %get3A_542 = arith.constant 0 : i32
    %get3A_543 = arith.index_cast %get3A_542 : i32 to index
    %get3A_544 = arith.constant 416 : index
    %get3A_545 = tpu.vector_load %arg10[%get3A_543, %get3A_544] {strides = array<i32>} : memref<1x1024xf32, #tpu.memory_space<vmem>>, vector<1x16xf32>,
    %get3A_546 = vector.shape_cast %get3A_545 : vector<1x16xf32> to vector<16xf32>
    %sub3A_547 = arith.subf %get3A_541, %get3A_546 : vector<16xf32>
    %swap3A_548 = arith.constant 416 : index
    %swap3A_549 = tpu.vector_load %arg11[%swap3A_548] {strides = array<i32>} : memref<1024xf32, #tpu.memory_space<vmem>>, vector<16xf32>,
    %swap3A_550 = vector.shape_cast %swap3A_549 : vector<16xf32> to vector<16xf32>
    %swap3A_551 = vector.shape_cast %sub3A_547 : vector<16xf32> to vector<16xf32>
    tpu.vector_store %arg11[%swap3A_548], %swap3A_551 {strides = array<i32>} : memref<1024xf32, #tpu.memory_space<vmem>>, vector<16xf32>,
    %get3A_552 = arith.constant 0 : i32
    %get3A_553 = arith.index_cast %get3A_552 : i32 to index
    %get3A_554 = arith.constant 432 : index
    %get3A_555 = tpu.vector_load %arg9[%get3A_553, %get3A_554] {strides = array<i32>} : memref<1x1024xf32, #tpu.memory_space<vmem>>, vector<1x16xf32>,
    %get3A_556 = vector.shape_cast %get3A_555 : vector<1x16xf32> to vector<16xf32>
    %get3A_557 = arith.constant 0 : i32
    %get3A_558 = arith.index_cast %get3A_557 : i32 to index
    %get3A_559 = arith.constant 432 : index
    %get3A_560 = tpu.vector_load %arg10[%get3A_558, %get3A_559] {strides = array<i32>} : memref<1x1024xf32, #tpu.memory_space<vmem>>, vector<1x16xf32>,
    %get3A_561 = vector.shape_cast %get3A_560 : vector<1x16xf32> to vector<16xf32>
    %sub3A_562 = arith.subf %get3A_556, %get3A_561 : vector<16xf32>
    %swap3A_563 = arith.constant 432 : index
    %swap3A_564 = tpu.vector_load %arg11[%swap3A_563] {strides = array<i32>} : memref<1024xf32, #tpu.memory_space<vmem>>, vector<16xf32>,
    %swap3A_565 = vector.shape_cast %swap3A_564 : vector<16xf32> to vector<16xf32>
    %swap3A_566 = vector.shape_cast %sub3A_562 : vector<16xf32> to vector<16xf32>
    tpu.vector_store %arg11[%swap3A_563], %swap3A_566 {strides = array<i32>} : memref<1024xf32, #tpu.memory_space<vmem>>, vector<16xf32>,
    %get3A_567 = arith.constant 0 : i32
    %get3A_568 = arith.index_cast %get3A_567 : i32 to index
    %get3A_569 = arith.constant 448 : index
    %get3A_570 = tpu.vector_load %arg9[%get3A_568, %get3A_569] {strides = array<i32>} : memref<1x1024xf32, #tpu.memory_space<vmem>>, vector<1x16xf32>,
    %get3A_571 = vector.shape_cast %get3A_570 : vector<1x16xf32> to vector<16xf32>
    %get3A_572 = arith.constant 0 : i32
    %get3A_573 = arith.index_cast %get3A_572 : i32 to index
    %get3A_574 = arith.constant 448 : index
    %get3A_575 = tpu.vector_load %arg10[%get3A_573, %get3A_574] {strides = array<i32>} : memref<1x1024xf32, #tpu.memory_space<vmem>>, vector<1x16xf32>,
    %get3A_576 = vector.shape_cast %get3A_575 : vector<1x16xf32> to vector<16xf32>
    %sub3A_577 = arith.subf %get3A_571, %get3A_576 : vector<16xf32>
    %swap3A_578 = arith.constant 448 : index
    %swap3A_579 = tpu.vector_load %arg11[%swap3A_578] {strides = array<i32>} : memref<1024xf32, #tpu.memory_space<vmem>>, vector<16xf32>,
    %swap3A_580 = vector.shape_cast %swap3A_579 : vector<16xf32> to vector<16xf32>
    %swap3A_581 = vector.shape_cast %sub3A_577 : vector<16xf32> to vector<16xf32>
    tpu.vector_store %arg11[%swap3A_578], %swap3A_581 {strides = array<i32>} : memref<1024xf32, #tpu.memory_space<vmem>>, vector<16xf32>,
    %get3A_582 = arith.constant 0 : i32
    %get3A_583 = arith.index_cast %get3A_582 : i32 to index
    %get3A_584 = arith.constant 464 : index
    %get3A_585 = tpu.vector_load %arg9[%get3A_583, %get3A_584] {strides = array<i32>} : memref<1x1024xf32, #tpu.memory_space<vmem>>, vector<1x16xf32>,
    %get3A_586 = vector.shape_cast %get3A_585 : vector<1x16xf32> to vector<16xf32>
    %get3A_587 = arith.constant 0 : i32
    %get3A_588 = arith.index_cast %get3A_587 : i32 to index
    %get3A_589 = arith.constant 464 : index
    %get3A_590 = tpu.vector_load %arg10[%get3A_588, %get3A_589] {strides = array<i32>} : memref<1x1024xf32, #tpu.memory_space<vmem>>, vector<1x16xf32>,
    %get3A_591 = vector.shape_cast %get3A_590 : vector<1x16xf32> to vector<16xf32>
    %sub3A_592 = arith.subf %get3A_586, %get3A_591 : vector<16xf32>
    %swap3A_593 = arith.constant 464 : index
    %swap3A_594 = tpu.vector_load %arg11[%swap3A_593] {strides = array<i32>} : memref<1024xf32, #tpu.memory_space<vmem>>, vector<16xf32>,
    %swap3A_595 = vector.shape_cast %swap3A_594 : vector<16xf32> to vector<16xf32>
    %swap3A_596 = vector.shape_cast %sub3A_592 : vector<16xf32> to vector<16xf32>
    tpu.vector_store %arg11[%swap3A_593], %swap3A_596 {strides = array<i32>} : memref<1024xf32, #tpu.memory_space<vmem>>, vector<16xf32>,
    %get3A_597 = arith.constant 0 : i32
    %get3A_598 = arith.index_cast %get3A_597 : i32 to index
    %get3A_599 = arith.constant 480 : index
    %get3A_600 = tpu.vector_load %arg9[%get3A_598, %get3A_599] {strides = array<i32>} : memref<1x1024xf32, #tpu.memory_space<vmem>>, vector<1x16xf32>,
    %get3A_601 = vector.shape_cast %get3A_600 : vector<1x16xf32> to vector<16xf32>
    %get3A_602 = arith.constant 0 : i32
    %get3A_603 = arith.index_cast %get3A_602 : i32 to index
    %get3A_604 = arith.constant 480 : index
    %get3A_605 = tpu.vector_load %arg10[%get3A_603, %get3A_604] {strides = array<i32>} : memref<1x1024xf32, #tpu.memory_space<vmem>>, vector<1x16xf32>,
    %get3A_606 = vector.shape_cast %get3A_605 : vector<1x16xf32> to vector<16xf32>
    %sub3A_607 = arith.subf %get3A_601, %get3A_606 : vector<16xf32>
    %swap3A_608 = arith.constant 480 : index
    %swap3A_609 = tpu.vector_load %arg11[%swap3A_608] {strides = array<i32>} : memref<1024xf32, #tpu.memory_space<vmem>>, vector<16xf32>,
    %swap3A_610 = vector.shape_cast %swap3A_609 : vector<16xf32> to vector<16xf32>
    %swap3A_611 = vector.shape_cast %sub3A_607 : vector<16xf32> to vector<16xf32>
    tpu.vector_store %arg11[%swap3A_608], %swap3A_611 {strides = array<i32>} : memref<1024xf32, #tpu.memory_space<vmem>>, vector<16xf32>,
    %get3A_612 = arith.constant 0 : i32
    %get3A_613 = arith.index_cast %get3A_612 : i32 to index
    %get3A_614 = arith.constant 496 : index
    %get3A_615 = tpu.vector_load %arg9[%get3A_613, %get3A_614] {strides = array<i32>} : memref<1x1024xf32, #tpu.memory_space<vmem>>, vector<1x16xf32>,
    %get3A_616 = vector.shape_cast %get3A_615 : vector<1x16xf32> to vector<16xf32>
    %get3A_617 = arith.constant 0 : i32
    %get3A_618 = arith.index_cast %get3A_617 : i32 to index
    %get3A_619 = arith.constant 496 : index
    %get3A_620 = tpu.vector_load %arg10[%get3A_618, %get3A_619] {strides = array<i32>} : memref<1x1024xf32, #tpu.memory_space<vmem>>, vector<1x16xf32>,
    %get3A_621 = vector.shape_cast %get3A_620 : vector<1x16xf32> to vector<16xf32>
    %sub3A_622 = arith.subf %get3A_616, %get3A_621 : vector<16xf32>
    %swap3A_623 = arith.constant 496 : index
    %swap3A_624 = tpu.vector_load %arg11[%swap3A_623] {strides = array<i32>} : memref<1024xf32, #tpu.memory_space<vmem>>, vector<16xf32>,
    %swap3A_625 = vector.shape_cast %swap3A_624 : vector<16xf32> to vector<16xf32>
    %swap3A_626 = vector.shape_cast %sub3A_622 : vector<16xf32> to vector<16xf32>
    tpu.vector_store %arg11[%swap3A_623], %swap3A_626 {strides = array<i32>} : memref<1024xf32, #tpu.memory_space<vmem>>, vector<16xf32>,
    %add3A_627 = arith.constant 256 : i32
    %add3A_628 = arith.addi %mul3A_0, %add3A_627 : i32
    %dma_start3A_629 = arith.constant 256 : i32
    %dma_start3A_630 = tpu.memref_slice %arg11[%dma_start3A_629] : memref<1024xf32, #tpu.memory_space<vmem>> -> memref<256xf32, #tpu.memory_space<vmem>>
    %dma_start3A_631 = tpu.memref_slice %arg6[%add3A_628] : memref<16384xf32, #tpu.memory_space<hbm>> -> memref<256xf32, #tpu.memory_space<hbm>>
    %dma_start3A_632 = tpu.memref_slice %arg6[%add3A_628] : memref<16384xf32, #tpu.memory_space<hbm>> -> memref<256xf32, #tpu.memory_space<hbm>>
    %dma_start3A_633 = arith.constant 256 : i32
    %dma_start3A_634 = tpu.memref_slice %arg11[%dma_start3A_633] : memref<1024xf32, #tpu.memory_space<vmem>> -> memref<256xf32, #tpu.memory_space<vmem>>
    tpu.enqueue_dma source(%dma_start3A_634 : memref<256xf32, #tpu.memory_space<vmem>>) target(%dma_start3A_632 : memref<256xf32, #tpu.memory_space<hbm>>) target_semaphore(%arg15 : memref<!tpu.dma_semaphore, #tpu.memory_space<semaphore_mem>>)
    %dma_wait3A_635 = arith.constant 0 : i32
    %dma_wait3A_636 = arith.constant 512 : i32
    %dma_wait3A_637 = tpu.memref_slice %arg9[%dma_wait3A_635, %dma_wait3A_636] : memref<1x1024xf32, #tpu.memory_space<vmem>> -> memref<1x256xf32, #tpu.memory_space<vmem>>
    %dma_wait3A_638 = arith.constant 0 : i32
    %dma_wait3A_639 = arith.constant 512 : i32
    %dma_wait3A_640 = tpu.memref_slice %arg7[%dma_wait3A_638, %dma_wait3A_639] : memref<1x1024xi32, #tpu.memory_space<vmem>> -> memref<1x256xi32, #tpu.memory_space<vmem>>
    %dma_wait3A_641 = arith.constant 0 : i32
    %dma_wait3A_642 = arith.constant 0 : i32
    %dma_wait3A_643 = tpu.memref_slice %arg4[%dma_wait3A_641, %dma_wait3A_642] : memref<1x100000xf32, #tpu.memory_space<hbm>> -> memref<1x100000xf32, #tpu.memory_space<hbm>>
    tpu.wait_indirect_dma semaphore(%arg16 : memref<!tpu.dma_semaphore, #tpu.memory_space<semaphore_mem>>) src(%dma_wait3A_643 : memref<1x100000xf32, #tpu.memory_space<hbm>>) dst(%dma_wait3A_637 : memref<1x256xf32, #tpu.memory_space<vmem>>)
    %dma_wait3A_644 = arith.constant 0 : i32
    %dma_wait3A_645 = arith.constant 512 : i32
    %dma_wait3A_646 = tpu.memref_slice %arg10[%dma_wait3A_644, %dma_wait3A_645] : memref<1x1024xf32, #tpu.memory_space<vmem>> -> memref<1x256xf32, #tpu.memory_space<vmem>>
    %dma_wait3A_647 = arith.constant 0 : i32
    %dma_wait3A_648 = arith.constant 512 : i32
    %dma_wait3A_649 = tpu.memref_slice %arg8[%dma_wait3A_647, %dma_wait3A_648] : memref<1x1024xi32, #tpu.memory_space<vmem>> -> memref<1x256xi32, #tpu.memory_space<vmem>>
    %dma_wait3A_650 = arith.constant 0 : i32
    %dma_wait3A_651 = arith.constant 0 : i32
    %dma_wait3A_652 = tpu.memref_slice %arg5[%dma_wait3A_650, %dma_wait3A_651] : memref<1x1000000xf32, #tpu.memory_space<hbm>> -> memref<1x1000000xf32, #tpu.memory_space<hbm>>
    tpu.wait_indirect_dma semaphore(%arg16 : memref<!tpu.dma_semaphore, #tpu.memory_space<semaphore_mem>>) src(%dma_wait3A_652 : memref<1x1000000xf32, #tpu.memory_space<hbm>>) dst(%dma_wait3A_646 : memref<1x256xf32, #tpu.memory_space<vmem>>)
    %get3A_653 = arith.constant 0 : i32
    %get3A_654 = arith.index_cast %get3A_653 : i32 to index
    %get3A_655 = arith.constant 512 : index
    %get3A_656 = tpu.vector_load %arg9[%get3A_654, %get3A_655] {strides = array<i32>} : memref<1x1024xf32, #tpu.memory_space<vmem>>, vector<1x16xf32>,
    %get3A_657 = vector.shape_cast %get3A_656 : vector<1x16xf32> to vector<16xf32>
    %get3A_658 = arith.constant 0 : i32
    %get3A_659 = arith.index_cast %get3A_658 : i32 to index
    %get3A_660 = arith.constant 512 : index
    %get3A_661 = tpu.vector_load %arg10[%get3A_659, %get3A_660] {strides = array<i32>} : memref<1x1024xf32, #tpu.memory_space<vmem>>, vector<1x16xf32>,
    %get3A_662 = vector.shape_cast %get3A_661 : vector<1x16xf32> to vector<16xf32>
    %sub3A_663 = arith.subf %get3A_657, %get3A_662 : vector<16xf32>
    %swap3A_664 = arith.constant 512 : index
    %swap3A_665 = tpu.vector_load %arg11[%swap3A_664] {strides = array<i32>} : memref<1024xf32, #tpu.memory_space<vmem>>, vector<16xf32>,
    %swap3A_666 = vector.shape_cast %swap3A_665 : vector<16xf32> to vector<16xf32>
    %swap3A_667 = vector.shape_cast %sub3A_663 : vector<16xf32> to vector<16xf32>
    tpu.vector_store %arg11[%swap3A_664], %swap3A_667 {strides = array<i32>} : memref<1024xf32, #tpu.memory_space<vmem>>, vector<16xf32>,
    %get3A_668 = arith.constant 0 : i32
    %get3A_669 = arith.index_cast %get3A_668 : i32 to index
    %get3A_670 = arith.constant 528 : index
    %get3A_671 = tpu.vector_load %arg9[%get3A_669, %get3A_670] {strides = array<i32>} : memref<1x1024xf32, #tpu.memory_space<vmem>>, vector<1x16xf32>,
    %get3A_672 = vector.shape_cast %get3A_671 : vector<1x16xf32> to vector<16xf32>
    %get3A_673 = arith.constant 0 : i32
    %get3A_674 = arith.index_cast %get3A_673 : i32 to index
    %get3A_675 = arith.constant 528 : index
    %get3A_676 = tpu.vector_load %arg10[%get3A_674, %get3A_675] {strides = array<i32>} : memref<1x1024xf32, #tpu.memory_space<vmem>>, vector<1x16xf32>,
    %get3A_677 = vector.shape_cast %get3A_676 : vector<1x16xf32> to vector<16xf32>
    %sub3A_678 = arith.subf %get3A_672, %get3A_677 : vector<16xf32>
    %swap3A_679 = arith.constant 528 : index
    %swap3A_680 = tpu.vector_load %arg11[%swap3A_679] {strides = array<i32>} : memref<1024xf32, #tpu.memory_space<vmem>>, vector<16xf32>,
    %swap3A_681 = vector.shape_cast %swap3A_680 : vector<16xf32> to vector<16xf32>
    %swap3A_682 = vector.shape_cast %sub3A_678 : vector<16xf32> to vector<16xf32>
    tpu.vector_store %arg11[%swap3A_679], %swap3A_682 {strides = array<i32>} : memref<1024xf32, #tpu.memory_space<vmem>>, vector<16xf32>,
    %get3A_683 = arith.constant 0 : i32
    %get3A_684 = arith.index_cast %get3A_683 : i32 to index
    %get3A_685 = arith.constant 544 : index
    %get3A_686 = tpu.vector_load %arg9[%get3A_684, %get3A_685] {strides = array<i32>} : memref<1x1024xf32, #tpu.memory_space<vmem>>, vector<1x16xf32>,
    %get3A_687 = vector.shape_cast %get3A_686 : vector<1x16xf32> to vector<16xf32>
    %get3A_688 = arith.constant 0 : i32
    %get3A_689 = arith.index_cast %get3A_688 : i32 to index
    %get3A_690 = arith.constant 544 : index
    %get3A_691 = tpu.vector_load %arg10[%get3A_689, %get3A_690] {strides = array<i32>} : memref<1x1024xf32, #tpu.memory_space<vmem>>, vector<1x16xf32>,
    %get3A_692 = vector.shape_cast %get3A_691 : vector<1x16xf32> to vector<16xf32>
    %sub3A_693 = arith.subf %get3A_687, %get3A_692 : vector<16xf32>
    %swap3A_694 = arith.constant 544 : index
    %swap3A_695 = tpu.vector_load %arg11[%swap3A_694] {strides = array<i32>} : memref<1024xf32, #tpu.memory_space<vmem>>, vector<16xf32>,
    %swap3A_696 = vector.shape_cast %swap3A_695 : vector<16xf32> to vector<16xf32>
    %swap3A_697 = vector.shape_cast %sub3A_693 : vector<16xf32> to vector<16xf32>
    tpu.vector_store %arg11[%swap3A_694], %swap3A_697 {strides = array<i32>} : memref<1024xf32, #tpu.memory_space<vmem>>, vector<16xf32>,
    %get3A_698 = arith.constant 0 : i32
    %get3A_699 = arith.index_cast %get3A_698 : i32 to index
    %get3A_700 = arith.constant 560 : index
    %get3A_701 = tpu.vector_load %arg9[%get3A_699, %get3A_700] {strides = array<i32>} : memref<1x1024xf32, #tpu.memory_space<vmem>>, vector<1x16xf32>,
    %get3A_702 = vector.shape_cast %get3A_701 : vector<1x16xf32> to vector<16xf32>
    %get3A_703 = arith.constant 0 : i32
    %get3A_704 = arith.index_cast %get3A_703 : i32 to index
    %get3A_705 = arith.constant 560 : index
    %get3A_706 = tpu.vector_load %arg10[%get3A_704, %get3A_705] {strides = array<i32>} : memref<1x1024xf32, #tpu.memory_space<vmem>>, vector<1x16xf32>,
    %get3A_707 = vector.shape_cast %get3A_706 : vector<1x16xf32> to vector<16xf32>
    %sub3A_708 = arith.subf %get3A_702, %get3A_707 : vector<16xf32>
    %swap3A_709 = arith.constant 560 : index
    %swap3A_710 = tpu.vector_load %arg11[%swap3A_709] {strides = array<i32>} : memref<1024xf32, #tpu.memory_space<vmem>>, vector<16xf32>,
    %swap3A_711 = vector.shape_cast %swap3A_710 : vector<16xf32> to vector<16xf32>
    %swap3A_712 = vector.shape_cast %sub3A_708 : vector<16xf32> to vector<16xf32>
    tpu.vector_store %arg11[%swap3A_709], %swap3A_712 {strides = array<i32>} : memref<1024xf32, #tpu.memory_space<vmem>>, vector<16xf32>,
    %get3A_713 = arith.constant 0 : i32
    %get3A_714 = arith.index_cast %get3A_713 : i32 to index
    %get3A_715 = arith.constant 576 : index
    %get3A_716 = tpu.vector_load %arg9[%get3A_714, %get3A_715] {strides = array<i32>} : memref<1x1024xf32, #tpu.memory_space<vmem>>, vector<1x16xf32>,
    %get3A_717 = vector.shape_cast %get3A_716 : vector<1x16xf32> to vector<16xf32>
    %get3A_718 = arith.constant 0 : i32
    %get3A_719 = arith.index_cast %get3A_718 : i32 to index
    %get3A_720 = arith.constant 576 : index
    %get3A_721 = tpu.vector_load %arg10[%get3A_719, %get3A_720] {strides = array<i32>} : memref<1x1024xf32, #tpu.memory_space<vmem>>, vector<1x16xf32>,
    %get3A_722 = vector.shape_cast %get3A_721 : vector<1x16xf32> to vector<16xf32>
    %sub3A_723 = arith.subf %get3A_717, %get3A_722 : vector<16xf32>
    %swap3A_724 = arith.constant 576 : index
    %swap3A_725 = tpu.vector_load %arg11[%swap3A_724] {strides = array<i32>} : memref<1024xf32, #tpu.memory_space<vmem>>, vector<16xf32>,
    %swap3A_726 = vector.shape_cast %swap3A_725 : vector<16xf32> to vector<16xf32>
    %swap3A_727 = vector.shape_cast %sub3A_723 : vector<16xf32> to vector<16xf32>
    tpu.vector_store %arg11[%swap3A_724], %swap3A_727 {strides = array<i32>} : memref<1024xf32, #tpu.memory_space<vmem>>, vector<16xf32>,
    %get3A_728 = arith.constant 0 : i32
    %get3A_729 = arith.index_cast %get3A_728 : i32 to index
    %get3A_730 = arith.constant 592 : index
    %get3A_731 = tpu.vector_load %arg9[%get3A_729, %get3A_730] {strides = array<i32>} : memref<1x1024xf32, #tpu.memory_space<vmem>>, vector<1x16xf32>,
    %get3A_732 = vector.shape_cast %get3A_731 : vector<1x16xf32> to vector<16xf32>
    %get3A_733 = arith.constant 0 : i32
    %get3A_734 = arith.index_cast %get3A_733 : i32 to index
    %get3A_735 = arith.constant 592 : index
    %get3A_736 = tpu.vector_load %arg10[%get3A_734, %get3A_735] {strides = array<i32>} : memref<1x1024xf32, #tpu.memory_space<vmem>>, vector<1x16xf32>,
    %get3A_737 = vector.shape_cast %get3A_736 : vector<1x16xf32> to vector<16xf32>
    %sub3A_738 = arith.subf %get3A_732, %get3A_737 : vector<16xf32>
    %swap3A_739 = arith.constant 592 : index
    %swap3A_740 = tpu.vector_load %arg11[%swap3A_739] {strides = array<i32>} : memref<1024xf32, #tpu.memory_space<vmem>>, vector<16xf32>,
    %swap3A_741 = vector.shape_cast %swap3A_740 : vector<16xf32> to vector<16xf32>
    %swap3A_742 = vector.shape_cast %sub3A_738 : vector<16xf32> to vector<16xf32>
    tpu.vector_store %arg11[%swap3A_739], %swap3A_742 {strides = array<i32>} : memref<1024xf32, #tpu.memory_space<vmem>>, vector<16xf32>,
    %get3A_743 = arith.constant 0 : i32
    %get3A_744 = arith.index_cast %get3A_743 : i32 to index
    %get3A_745 = arith.constant 608 : index
    %get3A_746 = tpu.vector_load %arg9[%get3A_744, %get3A_745] {strides = array<i32>} : memref<1x1024xf32, #tpu.memory_space<vmem>>, vector<1x16xf32>,
    %get3A_747 = vector.shape_cast %get3A_746 : vector<1x16xf32> to vector<16xf32>
    %get3A_748 = arith.constant 0 : i32
    %get3A_749 = arith.index_cast %get3A_748 : i32 to index
    %get3A_750 = arith.constant 608 : index
    %get3A_751 = tpu.vector_load %arg10[%get3A_749, %get3A_750] {strides = array<i32>} : memref<1x1024xf32, #tpu.memory_space<vmem>>, vector<1x16xf32>,
    %get3A_752 = vector.shape_cast %get3A_751 : vector<1x16xf32> to vector<16xf32>
    %sub3A_753 = arith.subf %get3A_747, %get3A_752 : vector<16xf32>
    %swap3A_754 = arith.constant 608 : index
    %swap3A_755 = tpu.vector_load %arg11[%swap3A_754] {strides = array<i32>} : memref<1024xf32, #tpu.memory_space<vmem>>, vector<16xf32>,
    %swap3A_756 = vector.shape_cast %swap3A_755 : vector<16xf32> to vector<16xf32>
    %swap3A_757 = vector.shape_cast %sub3A_753 : vector<16xf32> to vector<16xf32>
    tpu.vector_store %arg11[%swap3A_754], %swap3A_757 {strides = array<i32>} : memref<1024xf32, #tpu.memory_space<vmem>>, vector<16xf32>,
    %get3A_758 = arith.constant 0 : i32
    %get3A_759 = arith.index_cast %get3A_758 : i32 to index
    %get3A_760 = arith.constant 624 : index
    %get3A_761 = tpu.vector_load %arg9[%get3A_759, %get3A_760] {strides = array<i32>} : memref<1x1024xf32, #tpu.memory_space<vmem>>, vector<1x16xf32>,
    %get3A_762 = vector.shape_cast %get3A_761 : vector<1x16xf32> to vector<16xf32>
    %get3A_763 = arith.constant 0 : i32
    %get3A_764 = arith.index_cast %get3A_763 : i32 to index
    %get3A_765 = arith.constant 624 : index
    %get3A_766 = tpu.vector_load %arg10[%get3A_764, %get3A_765] {strides = array<i32>} : memref<1x1024xf32, #tpu.memory_space<vmem>>, vector<1x16xf32>,
    %get3A_767 = vector.shape_cast %get3A_766 : vector<1x16xf32> to vector<16xf32>
    %sub3A_768 = arith.subf %get3A_762, %get3A_767 : vector<16xf32>
    %swap3A_769 = arith.constant 624 : index
    %swap3A_770 = tpu.vector_load %arg11[%swap3A_769] {strides = array<i32>} : memref<1024xf32, #tpu.memory_space<vmem>>, vector<16xf32>,
    %swap3A_771 = vector.shape_cast %swap3A_770 : vector<16xf32> to vector<16xf32>
    %swap3A_772 = vector.shape_cast %sub3A_768 : vector<16xf32> to vector<16xf32>
    tpu.vector_store %arg11[%swap3A_769], %swap3A_772 {strides = array<i32>} : memref<1024xf32, #tpu.memory_space<vmem>>, vector<16xf32>,
    %get3A_773 = arith.constant 0 : i32
    %get3A_774 = arith.index_cast %get3A_773 : i32 to index
    %get3A_775 = arith.constant 640 : index
    %get3A_776 = tpu.vector_load %arg9[%get3A_774, %get3A_775] {strides = array<i32>} : memref<1x1024xf32, #tpu.memory_space<vmem>>, vector<1x16xf32>,
    %get3A_777 = vector.shape_cast %get3A_776 : vector<1x16xf32> to vector<16xf32>
    %get3A_778 = arith.constant 0 : i32
    %get3A_779 = arith.index_cast %get3A_778 : i32 to index
    %get3A_780 = arith.constant 640 : index
    %get3A_781 = tpu.vector_load %arg10[%get3A_779, %get3A_780] {strides = array<i32>} : memref<1x1024xf32, #tpu.memory_space<vmem>>, vector<1x16xf32>,
    %get3A_782 = vector.shape_cast %get3A_781 : vector<1x16xf32> to vector<16xf32>
    %sub3A_783 = arith.subf %get3A_777, %get3A_782 : vector<16xf32>
    %swap3A_784 = arith.constant 640 : index
    %swap3A_785 = tpu.vector_load %arg11[%swap3A_784] {strides = array<i32>} : memref<1024xf32, #tpu.memory_space<vmem>>, vector<16xf32>,
    %swap3A_786 = vector.shape_cast %swap3A_785 : vector<16xf32> to vector<16xf32>
    %swap3A_787 = vector.shape_cast %sub3A_783 : vector<16xf32> to vector<16xf32>
    tpu.vector_store %arg11[%swap3A_784], %swap3A_787 {strides = array<i32>} : memref<1024xf32, #tpu.memory_space<vmem>>, vector<16xf32>,
    %get3A_788 = arith.constant 0 : i32
    %get3A_789 = arith.index_cast %get3A_788 : i32 to index
    %get3A_790 = arith.constant 656 : index
    %get3A_791 = tpu.vector_load %arg9[%get3A_789, %get3A_790] {strides = array<i32>} : memref<1x1024xf32, #tpu.memory_space<vmem>>, vector<1x16xf32>,
    %get3A_792 = vector.shape_cast %get3A_791 : vector<1x16xf32> to vector<16xf32>
    %get3A_793 = arith.constant 0 : i32
    %get3A_794 = arith.index_cast %get3A_793 : i32 to index
    %get3A_795 = arith.constant 656 : index
    %get3A_796 = tpu.vector_load %arg10[%get3A_794, %get3A_795] {strides = array<i32>} : memref<1x1024xf32, #tpu.memory_space<vmem>>, vector<1x16xf32>,
    %get3A_797 = vector.shape_cast %get3A_796 : vector<1x16xf32> to vector<16xf32>
    %sub3A_798 = arith.subf %get3A_792, %get3A_797 : vector<16xf32>
    %swap3A_799 = arith.constant 656 : index
    %swap3A_800 = tpu.vector_load %arg11[%swap3A_799] {strides = array<i32>} : memref<1024xf32, #tpu.memory_space<vmem>>, vector<16xf32>,
    %swap3A_801 = vector.shape_cast %swap3A_800 : vector<16xf32> to vector<16xf32>
    %swap3A_802 = vector.shape_cast %sub3A_798 : vector<16xf32> to vector<16xf32>
    tpu.vector_store %arg11[%swap3A_799], %swap3A_802 {strides = array<i32>} : memref<1024xf32, #tpu.memory_space<vmem>>, vector<16xf32>,
    %get3A_803 = arith.constant 0 : i32
    %get3A_804 = arith.index_cast %get3A_803 : i32 to index
    %get3A_805 = arith.constant 672 : index
    %get3A_806 = tpu.vector_load %arg9[%get3A_804, %get3A_805] {strides = array<i32>} : memref<1x1024xf32, #tpu.memory_space<vmem>>, vector<1x16xf32>,
    %get3A_807 = vector.shape_cast %get3A_806 : vector<1x16xf32> to vector<16xf32>
    %get3A_808 = arith.constant 0 : i32
    %get3A_809 = arith.index_cast %get3A_808 : i32 to index
    %get3A_810 = arith.constant 672 : index
    %get3A_811 = tpu.vector_load %arg10[%get3A_809, %get3A_810] {strides = array<i32>} : memref<1x1024xf32, #tpu.memory_space<vmem>>, vector<1x16xf32>,
    %get3A_812 = vector.shape_cast %get3A_811 : vector<1x16xf32> to vector<16xf32>
    %sub3A_813 = arith.subf %get3A_807, %get3A_812 : vector<16xf32>
    %swap3A_814 = arith.constant 672 : index
    %swap3A_815 = tpu.vector_load %arg11[%swap3A_814] {strides = array<i32>} : memref<1024xf32, #tpu.memory_space<vmem>>, vector<16xf32>,
    %swap3A_816 = vector.shape_cast %swap3A_815 : vector<16xf32> to vector<16xf32>
    %swap3A_817 = vector.shape_cast %sub3A_813 : vector<16xf32> to vector<16xf32>
    tpu.vector_store %arg11[%swap3A_814], %swap3A_817 {strides = array<i32>} : memref<1024xf32, #tpu.memory_space<vmem>>, vector<16xf32>,
    %get3A_818 = arith.constant 0 : i32
    %get3A_819 = arith.index_cast %get3A_818 : i32 to index
    %get3A_820 = arith.constant 688 : index
    %get3A_821 = tpu.vector_load %arg9[%get3A_819, %get3A_820] {strides = array<i32>} : memref<1x1024xf32, #tpu.memory_space<vmem>>, vector<1x16xf32>,
    %get3A_822 = vector.shape_cast %get3A_821 : vector<1x16xf32> to vector<16xf32>
    %get3A_823 = arith.constant 0 : i32
    %get3A_824 = arith.index_cast %get3A_823 : i32 to index
    %get3A_825 = arith.constant 688 : index
    %get3A_826 = tpu.vector_load %arg10[%get3A_824, %get3A_825] {strides = array<i32>} : memref<1x1024xf32, #tpu.memory_space<vmem>>, vector<1x16xf32>,
    %get3A_827 = vector.shape_cast %get3A_826 : vector<1x16xf32> to vector<16xf32>
    %sub3A_828 = arith.subf %get3A_822, %get3A_827 : vector<16xf32>
    %swap3A_829 = arith.constant 688 : index
    %swap3A_830 = tpu.vector_load %arg11[%swap3A_829] {strides = array<i32>} : memref<1024xf32, #tpu.memory_space<vmem>>, vector<16xf32>,
    %swap3A_831 = vector.shape_cast %swap3A_830 : vector<16xf32> to vector<16xf32>
    %swap3A_832 = vector.shape_cast %sub3A_828 : vector<16xf32> to vector<16xf32>
    tpu.vector_store %arg11[%swap3A_829], %swap3A_832 {strides = array<i32>} : memref<1024xf32, #tpu.memory_space<vmem>>, vector<16xf32>,
    %get3A_833 = arith.constant 0 : i32
    %get3A_834 = arith.index_cast %get3A_833 : i32 to index
    %get3A_835 = arith.constant 704 : index
    %get3A_836 = tpu.vector_load %arg9[%get3A_834, %get3A_835] {strides = array<i32>} : memref<1x1024xf32, #tpu.memory_space<vmem>>, vector<1x16xf32>,
    %get3A_837 = vector.shape_cast %get3A_836 : vector<1x16xf32> to vector<16xf32>
    %get3A_838 = arith.constant 0 : i32
    %get3A_839 = arith.index_cast %get3A_838 : i32 to index
    %get3A_840 = arith.constant 704 : index
    %get3A_841 = tpu.vector_load %arg10[%get3A_839, %get3A_840] {strides = array<i32>} : memref<1x1024xf32, #tpu.memory_space<vmem>>, vector<1x16xf32>,
    %get3A_842 = vector.shape_cast %get3A_841 : vector<1x16xf32> to vector<16xf32>
    %sub3A_843 = arith.subf %get3A_837, %get3A_842 : vector<16xf32>
    %swap3A_844 = arith.constant 704 : index
    %swap3A_845 = tpu.vector_load %arg11[%swap3A_844] {strides = array<i32>} : memref<1024xf32, #tpu.memory_space<vmem>>, vector<16xf32>,
    %swap3A_846 = vector.shape_cast %swap3A_845 : vector<16xf32> to vector<16xf32>
    %swap3A_847 = vector.shape_cast %sub3A_843 : vector<16xf32> to vector<16xf32>
    tpu.vector_store %arg11[%swap3A_844], %swap3A_847 {strides = array<i32>} : memref<1024xf32, #tpu.memory_space<vmem>>, vector<16xf32>,
    %get3A_848 = arith.constant 0 : i32
    %get3A_849 = arith.index_cast %get3A_848 : i32 to index
    %get3A_850 = arith.constant 720 : index
    %get3A_851 = tpu.vector_load %arg9[%get3A_849, %get3A_850] {strides = array<i32>} : memref<1x1024xf32, #tpu.memory_space<vmem>>, vector<1x16xf32>,
    %get3A_852 = vector.shape_cast %get3A_851 : vector<1x16xf32> to vector<16xf32>
    %get3A_853 = arith.constant 0 : i32
    %get3A_854 = arith.index_cast %get3A_853 : i32 to index
    %get3A_855 = arith.constant 720 : index
    %get3A_856 = tpu.vector_load %arg10[%get3A_854, %get3A_855] {strides = array<i32>} : memref<1x1024xf32, #tpu.memory_space<vmem>>, vector<1x16xf32>,
    %get3A_857 = vector.shape_cast %get3A_856 : vector<1x16xf32> to vector<16xf32>
    %sub3A_858 = arith.subf %get3A_852, %get3A_857 : vector<16xf32>
    %swap3A_859 = arith.constant 720 : index
    %swap3A_860 = tpu.vector_load %arg11[%swap3A_859] {strides = array<i32>} : memref<1024xf32, #tpu.memory_space<vmem>>, vector<16xf32>,
    %swap3A_861 = vector.shape_cast %swap3A_860 : vector<16xf32> to vector<16xf32>
    %swap3A_862 = vector.shape_cast %sub3A_858 : vector<16xf32> to vector<16xf32>
    tpu.vector_store %arg11[%swap3A_859], %swap3A_862 {strides = array<i32>} : memref<1024xf32, #tpu.memory_space<vmem>>, vector<16xf32>,
    %get3A_863 = arith.constant 0 : i32
    %get3A_864 = arith.index_cast %get3A_863 : i32 to index
    %get3A_865 = arith.constant 736 : index
    %get3A_866 = tpu.vector_load %arg9[%get3A_864, %get3A_865] {strides = array<i32>} : memref<1x1024xf32, #tpu.memory_space<vmem>>, vector<1x16xf32>,
    %get3A_867 = vector.shape_cast %get3A_866 : vector<1x16xf32> to vector<16xf32>
    %get3A_868 = arith.constant 0 : i32
    %get3A_869 = arith.index_cast %get3A_868 : i32 to index
    %get3A_870 = arith.constant 736 : index
    %get3A_871 = tpu.vector_load %arg10[%get3A_869, %get3A_870] {strides = array<i32>} : memref<1x1024xf32, #tpu.memory_space<vmem>>, vector<1x16xf32>,
    %get3A_872 = vector.shape_cast %get3A_871 : vector<1x16xf32> to vector<16xf32>
    %sub3A_873 = arith.subf %get3A_867, %get3A_872 : vector<16xf32>
    %swap3A_874 = arith.constant 736 : index
    %swap3A_875 = tpu.vector_load %arg11[%swap3A_874] {strides = array<i32>} : memref<1024xf32, #tpu.memory_space<vmem>>, vector<16xf32>,
    %swap3A_876 = vector.shape_cast %swap3A_875 : vector<16xf32> to vector<16xf32>
    %swap3A_877 = vector.shape_cast %sub3A_873 : vector<16xf32> to vector<16xf32>
    tpu.vector_store %arg11[%swap3A_874], %swap3A_877 {strides = array<i32>} : memref<1024xf32, #tpu.memory_space<vmem>>, vector<16xf32>,
    %get3A_878 = arith.constant 0 : i32
    %get3A_879 = arith.index_cast %get3A_878 : i32 to index
    %get3A_880 = arith.constant 752 : index
    %get3A_881 = tpu.vector_load %arg9[%get3A_879, %get3A_880] {strides = array<i32>} : memref<1x1024xf32, #tpu.memory_space<vmem>>, vector<1x16xf32>,
    %get3A_882 = vector.shape_cast %get3A_881 : vector<1x16xf32> to vector<16xf32>
    %get3A_883 = arith.constant 0 : i32
    %get3A_884 = arith.index_cast %get3A_883 : i32 to index
    %get3A_885 = arith.constant 752 : index
    %get3A_886 = tpu.vector_load %arg10[%get3A_884, %get3A_885] {strides = array<i32>} : memref<1x1024xf32, #tpu.memory_space<vmem>>, vector<1x16xf32>,
    %get3A_887 = vector.shape_cast %get3A_886 : vector<1x16xf32> to vector<16xf32>
    %sub3A_888 = arith.subf %get3A_882, %get3A_887 : vector<16xf32>
    %swap3A_889 = arith.constant 752 : index
    %swap3A_890 = tpu.vector_load %arg11[%swap3A_889] {strides = array<i32>} : memref<1024xf32, #tpu.memory_space<vmem>>, vector<16xf32>,
    %swap3A_891 = vector.shape_cast %swap3A_890 : vector<16xf32> to vector<16xf32>
    %swap3A_892 = vector.shape_cast %sub3A_888 : vector<16xf32> to vector<16xf32>
    tpu.vector_store %arg11[%swap3A_889], %swap3A_892 {strides = array<i32>} : memref<1024xf32, #tpu.memory_space<vmem>>, vector<16xf32>,
    %add3A_893 = arith.constant 512 : i32
    %add3A_894 = arith.addi %mul3A_0, %add3A_893 : i32
    %dma_start3A_895 = arith.constant 512 : i32
    %dma_start3A_896 = tpu.memref_slice %arg11[%dma_start3A_895] : memref<1024xf32, #tpu.memory_space<vmem>> -> memref<256xf32, #tpu.memory_space<vmem>>
    %dma_start3A_897 = tpu.memref_slice %arg6[%add3A_894] : memref<16384xf32, #tpu.memory_space<hbm>> -> memref<256xf32, #tpu.memory_space<hbm>>
    %dma_start3A_898 = tpu.memref_slice %arg6[%add3A_894] : memref<16384xf32, #tpu.memory_space<hbm>> -> memref<256xf32, #tpu.memory_space<hbm>>
    %dma_start3A_899 = arith.constant 512 : i32
    %dma_start3A_900 = tpu.memref_slice %arg11[%dma_start3A_899] : memref<1024xf32, #tpu.memory_space<vmem>> -> memref<256xf32, #tpu.memory_space<vmem>>
    tpu.enqueue_dma source(%dma_start3A_900 : memref<256xf32, #tpu.memory_space<vmem>>) target(%dma_start3A_898 : memref<256xf32, #tpu.memory_space<hbm>>) target_semaphore(%arg16 : memref<!tpu.dma_semaphore, #tpu.memory_space<semaphore_mem>>)
    %dma_wait3A_901 = arith.constant 0 : i32
    %dma_wait3A_902 = arith.constant 768 : i32
    %dma_wait3A_903 = tpu.memref_slice %arg9[%dma_wait3A_901, %dma_wait3A_902] : memref<1x1024xf32, #tpu.memory_space<vmem>> -> memref<1x256xf32, #tpu.memory_space<vmem>>
    %dma_wait3A_904 = arith.constant 0 : i32
    %dma_wait3A_905 = arith.constant 768 : i32
    %dma_wait3A_906 = tpu.memref_slice %arg7[%dma_wait3A_904, %dma_wait3A_905] : memref<1x1024xi32, #tpu.memory_space<vmem>> -> memref<1x256xi32, #tpu.memory_space<vmem>>
    %dma_wait3A_907 = arith.constant 0 : i32
    %dma_wait3A_908 = arith.constant 0 : i32
    %dma_wait3A_909 = tpu.memref_slice %arg4[%dma_wait3A_907, %dma_wait3A_908] : memref<1x100000xf32, #tpu.memory_space<hbm>> -> memref<1x100000xf32, #tpu.memory_space<hbm>>
    tpu.wait_indirect_dma semaphore(%arg17 : memref<!tpu.dma_semaphore, #tpu.memory_space<semaphore_mem>>) src(%dma_wait3A_909 : memref<1x100000xf32, #tpu.memory_space<hbm>>) dst(%dma_wait3A_903 : memref<1x256xf32, #tpu.memory_space<vmem>>)
    %dma_wait3A_910 = arith.constant 0 : i32
    %dma_wait3A_911 = arith.constant 768 : i32
    %dma_wait3A_912 = tpu.memref_slice %arg10[%dma_wait3A_910, %dma_wait3A_911] : memref<1x1024xf32, #tpu.memory_space<vmem>> -> memref<1x256xf32, #tpu.memory_space<vmem>>
    %dma_wait3A_913 = arith.constant 0 : i32
    %dma_wait3A_914 = arith.constant 768 : i32
    %dma_wait3A_915 = tpu.memref_slice %arg8[%dma_wait3A_913, %dma_wait3A_914] : memref<1x1024xi32, #tpu.memory_space<vmem>> -> memref<1x256xi32, #tpu.memory_space<vmem>>
    %dma_wait3A_916 = arith.constant 0 : i32
    %dma_wait3A_917 = arith.constant 0 : i32
    %dma_wait3A_918 = tpu.memref_slice %arg5[%dma_wait3A_916, %dma_wait3A_917] : memref<1x1000000xf32, #tpu.memory_space<hbm>> -> memref<1x1000000xf32, #tpu.memory_space<hbm>>
    tpu.wait_indirect_dma semaphore(%arg17 : memref<!tpu.dma_semaphore, #tpu.memory_space<semaphore_mem>>) src(%dma_wait3A_918 : memref<1x1000000xf32, #tpu.memory_space<hbm>>) dst(%dma_wait3A_912 : memref<1x256xf32, #tpu.memory_space<vmem>>)
    %get3A_919 = arith.constant 0 : i32
    %get3A_920 = arith.index_cast %get3A_919 : i32 to index
    %get3A_921 = arith.constant 768 : index
    %get3A_922 = tpu.vector_load %arg9[%get3A_920, %get3A_921] {strides = array<i32>} : memref<1x1024xf32, #tpu.memory_space<vmem>>, vector<1x16xf32>,
    %get3A_923 = vector.shape_cast %get3A_922 : vector<1x16xf32> to vector<16xf32>
    %get3A_924 = arith.constant 0 : i32
    %get3A_925 = arith.index_cast %get3A_924 : i32 to index
    %get3A_926 = arith.constant 768 : index
    %get3A_927 = tpu.vector_load %arg10[%get3A_925, %get3A_926] {strides = array<i32>} : memref<1x1024xf32, #tpu.memory_space<vmem>>, vector<1x16xf32>,
    %get3A_928 = vector.shape_cast %get3A_927 : vector<1x16xf32> to vector<16xf32>
    %sub3A_929 = arith.subf %get3A_923, %get3A_928 : vector<16xf32>
    %swap3A_930 = arith.constant 768 : index
    %swap3A_931 = tpu.vector_load %arg11[%swap3A_930] {strides = array<i32>} : memref<1024xf32, #tpu.memory_space<vmem>>, vector<16xf32>,
    %swap3A_932 = vector.shape_cast %swap3A_931 : vector<16xf32> to vector<16xf32>
    %swap3A_933 = vector.shape_cast %sub3A_929 : vector<16xf32> to vector<16xf32>
    tpu.vector_store %arg11[%swap3A_930], %swap3A_933 {strides = array<i32>} : memref<1024xf32, #tpu.memory_space<vmem>>, vector<16xf32>,
    %get3A_934 = arith.constant 0 : i32
    %get3A_935 = arith.index_cast %get3A_934 : i32 to index
    %get3A_936 = arith.constant 784 : index
    %get3A_937 = tpu.vector_load %arg9[%get3A_935, %get3A_936] {strides = array<i32>} : memref<1x1024xf32, #tpu.memory_space<vmem>>, vector<1x16xf32>,
    %get3A_938 = vector.shape_cast %get3A_937 : vector<1x16xf32> to vector<16xf32>
    %get3A_939 = arith.constant 0 : i32
    %get3A_940 = arith.index_cast %get3A_939 : i32 to index
    %get3A_941 = arith.constant 784 : index
    %get3A_942 = tpu.vector_load %arg10[%get3A_940, %get3A_941] {strides = array<i32>} : memref<1x1024xf32, #tpu.memory_space<vmem>>, vector<1x16xf32>,
    %get3A_943 = vector.shape_cast %get3A_942 : vector<1x16xf32> to vector<16xf32>
    %sub3A_944 = arith.subf %get3A_938, %get3A_943 : vector<16xf32>
    %swap3A_945 = arith.constant 784 : index
    %swap3A_946 = tpu.vector_load %arg11[%swap3A_945] {strides = array<i32>} : memref<1024xf32, #tpu.memory_space<vmem>>, vector<16xf32>,
    %swap3A_947 = vector.shape_cast %swap3A_946 : vector<16xf32> to vector<16xf32>
    %swap3A_948 = vector.shape_cast %sub3A_944 : vector<16xf32> to vector<16xf32>
    tpu.vector_store %arg11[%swap3A_945], %swap3A_948 {strides = array<i32>} : memref<1024xf32, #tpu.memory_space<vmem>>, vector<16xf32>,
    %get3A_949 = arith.constant 0 : i32
    %get3A_950 = arith.index_cast %get3A_949 : i32 to index
    %get3A_951 = arith.constant 800 : index
    %get3A_952 = tpu.vector_load %arg9[%get3A_950, %get3A_951] {strides = array<i32>} : memref<1x1024xf32, #tpu.memory_space<vmem>>, vector<1x16xf32>,
    %get3A_953 = vector.shape_cast %get3A_952 : vector<1x16xf32> to vector<16xf32>
    %get3A_954 = arith.constant 0 : i32
    %get3A_955 = arith.index_cast %get3A_954 : i32 to index
    %get3A_956 = arith.constant 800 : index
    %get3A_957 = tpu.vector_load %arg10[%get3A_955, %get3A_956] {strides = array<i32>} : memref<1x1024xf32, #tpu.memory_space<vmem>>, vector<1x16xf32>,
    %get3A_958 = vector.shape_cast %get3A_957 : vector<1x16xf32> to vector<16xf32>
    %sub3A_959 = arith.subf %get3A_953, %get3A_958 : vector<16xf32>
    %swap3A_960 = arith.constant 800 : index
    %swap3A_961 = tpu.vector_load %arg11[%swap3A_960] {strides = array<i32>} : memref<1024xf32, #tpu.memory_space<vmem>>, vector<16xf32>,
    %swap3A_962 = vector.shape_cast %swap3A_961 : vector<16xf32> to vector<16xf32>
    %swap3A_963 = vector.shape_cast %sub3A_959 : vector<16xf32> to vector<16xf32>
    tpu.vector_store %arg11[%swap3A_960], %swap3A_963 {strides = array<i32>} : memref<1024xf32, #tpu.memory_space<vmem>>, vector<16xf32>,
    %get3A_964 = arith.constant 0 : i32
    %get3A_965 = arith.index_cast %get3A_964 : i32 to index
    %get3A_966 = arith.constant 816 : index
    %get3A_967 = tpu.vector_load %arg9[%get3A_965, %get3A_966] {strides = array<i32>} : memref<1x1024xf32, #tpu.memory_space<vmem>>, vector<1x16xf32>,
    %get3A_968 = vector.shape_cast %get3A_967 : vector<1x16xf32> to vector<16xf32>
    %get3A_969 = arith.constant 0 : i32
    %get3A_970 = arith.index_cast %get3A_969 : i32 to index
    %get3A_971 = arith.constant 816 : index
    %get3A_972 = tpu.vector_load %arg10[%get3A_970, %get3A_971] {strides = array<i32>} : memref<1x1024xf32, #tpu.memory_space<vmem>>, vector<1x16xf32>,
    %get3A_973 = vector.shape_cast %get3A_972 : vector<1x16xf32> to vector<16xf32>
    %sub3A_974 = arith.subf %get3A_968, %get3A_973 : vector<16xf32>
    %swap3A_975 = arith.constant 816 : index
    %swap3A_976 = tpu.vector_load %arg11[%swap3A_975] {strides = array<i32>} : memref<1024xf32, #tpu.memory_space<vmem>>, vector<16xf32>,
    %swap3A_977 = vector.shape_cast %swap3A_976 : vector<16xf32> to vector<16xf32>
    %swap3A_978 = vector.shape_cast %sub3A_974 : vector<16xf32> to vector<16xf32>
    tpu.vector_store %arg11[%swap3A_975], %swap3A_978 {strides = array<i32>} : memref<1024xf32, #tpu.memory_space<vmem>>, vector<16xf32>,
    %get3A_979 = arith.constant 0 : i32
    %get3A_980 = arith.index_cast %get3A_979 : i32 to index
    %get3A_981 = arith.constant 832 : index
    %get3A_982 = tpu.vector_load %arg9[%get3A_980, %get3A_981] {strides = array<i32>} : memref<1x1024xf32, #tpu.memory_space<vmem>>, vector<1x16xf32>,
    %get3A_983 = vector.shape_cast %get3A_982 : vector<1x16xf32> to vector<16xf32>
    %get3A_984 = arith.constant 0 : i32
    %get3A_985 = arith.index_cast %get3A_984 : i32 to index
    %get3A_986 = arith.constant 832 : index
    %get3A_987 = tpu.vector_load %arg10[%get3A_985, %get3A_986] {strides = array<i32>} : memref<1x1024xf32, #tpu.memory_space<vmem>>, vector<1x16xf32>,
    %get3A_988 = vector.shape_cast %get3A_987 : vector<1x16xf32> to vector<16xf32>
    %sub3A_989 = arith.subf %get3A_983, %get3A_988 : vector<16xf32>
    %swap3A_990 = arith.constant 832 : index
    %swap3A_991 = tpu.vector_load %arg11[%swap3A_990] {strides = array<i32>} : memref<1024xf32, #tpu.memory_space<vmem>>, vector<16xf32>,
    %swap3A_992 = vector.shape_cast %swap3A_991 : vector<16xf32> to vector<16xf32>
    %swap3A_993 = vector.shape_cast %sub3A_989 : vector<16xf32> to vector<16xf32>
    tpu.vector_store %arg11[%swap3A_990], %swap3A_993 {strides = array<i32>} : memref<1024xf32, #tpu.memory_space<vmem>>, vector<16xf32>,
    %get3A_994 = arith.constant 0 : i32
    %get3A_995 = arith.index_cast %get3A_994 : i32 to index
    %get3A_996 = arith.constant 848 : index
    %get3A_997 = tpu.vector_load %arg9[%get3A_995, %get3A_996] {strides = array<i32>} : memref<1x1024xf32, #tpu.memory_space<vmem>>, vector<1x16xf32>,
    %get3A_998 = vector.shape_cast %get3A_997 : vector<1x16xf32> to vector<16xf32>
    %get3A_999 = arith.constant 0 : i32
    %get3A_1000 = arith.index_cast %get3A_999 : i32 to index
    %get3A_1001 = arith.constant 848 : index
    %get3A_1002 = tpu.vector_load %arg10[%get3A_1000, %get3A_1001] {strides = array<i32>} : memref<1x1024xf32, #tpu.memory_space<vmem>>, vector<1x16xf32>,
    %get3A_1003 = vector.shape_cast %get3A_1002 : vector<1x16xf32> to vector<16xf32>
    %sub3A_1004 = arith.subf %get3A_998, %get3A_1003 : vector<16xf32>
    %swap3A_1005 = arith.constant 848 : index
    %swap3A_1006 = tpu.vector_load %arg11[%swap3A_1005] {strides = array<i32>} : memref<1024xf32, #tpu.memory_space<vmem>>, vector<16xf32>,
    %swap3A_1007 = vector.shape_cast %swap3A_1006 : vector<16xf32> to vector<16xf32>
    %swap3A_1008 = vector.shape_cast %sub3A_1004 : vector<16xf32> to vector<16xf32>
    tpu.vector_store %arg11[%swap3A_1005], %swap3A_1008 {strides = array<i32>} : memref<1024xf32, #tpu.memory_space<vmem>>, vector<16xf32>,
    %get3A_1009 = arith.constant 0 : i32
    %get3A_1010 = arith.index_cast %get3A_1009 : i32 to index
    %get3A_1011 = arith.constant 864 : index
    %get3A_1012 = tpu.vector_load %arg9[%get3A_1010, %get3A_1011] {strides = array<i32>} : memref<1x1024xf32, #tpu.memory_space<vmem>>, vector<1x16xf32>,
    %get3A_1013 = vector.shape_cast %get3A_1012 : vector<1x16xf32> to vector<16xf32>
    %get3A_1014 = arith.constant 0 : i32
    %get3A_1015 = arith.index_cast %get3A_1014 : i32 to index
    %get3A_1016 = arith.constant 864 : index
    %get3A_1017 = tpu.vector_load %arg10[%get3A_1015, %get3A_1016] {strides = array<i32>} : memref<1x1024xf32, #tpu.memory_space<vmem>>, vector<1x16xf32>,
    %get3A_1018 = vector.shape_cast %get3A_1017 : vector<1x16xf32> to vector<16xf32>
    %sub3A_1019 = arith.subf %get3A_1013, %get3A_1018 : vector<16xf32>
    %swap3A_1020 = arith.constant 864 : index
    %swap3A_1021 = tpu.vector_load %arg11[%swap3A_1020] {strides = array<i32>} : memref<1024xf32, #tpu.memory_space<vmem>>, vector<16xf32>,
    %swap3A_1022 = vector.shape_cast %swap3A_1021 : vector<16xf32> to vector<16xf32>
    %swap3A_1023 = vector.shape_cast %sub3A_1019 : vector<16xf32> to vector<16xf32>
    tpu.vector_store %arg11[%swap3A_1020], %swap3A_1023 {strides = array<i32>} : memref<1024xf32, #tpu.memory_space<vmem>>, vector<16xf32>,
    %get3A_1024 = arith.constant 0 : i32
    %get3A_1025 = arith.index_cast %get3A_1024 : i32 to index
    %get3A_1026 = arith.constant 880 : index
    %get3A_1027 = tpu.vector_load %arg9[%get3A_1025, %get3A_1026] {strides = array<i32>} : memref<1x1024xf32, #tpu.memory_space<vmem>>, vector<1x16xf32>,
    %get3A_1028 = vector.shape_cast %get3A_1027 : vector<1x16xf32> to vector<16xf32>
    %get3A_1029 = arith.constant 0 : i32
    %get3A_1030 = arith.index_cast %get3A_1029 : i32 to index
    %get3A_1031 = arith.constant 880 : index
    %get3A_1032 = tpu.vector_load %arg10[%get3A_1030, %get3A_1031] {strides = array<i32>} : memref<1x1024xf32, #tpu.memory_space<vmem>>, vector<1x16xf32>,
    %get3A_1033 = vector.shape_cast %get3A_1032 : vector<1x16xf32> to vector<16xf32>
    %sub3A_1034 = arith.subf %get3A_1028, %get3A_1033 : vector<16xf32>
    %swap3A_1035 = arith.constant 880 : index
    %swap3A_1036 = tpu.vector_load %arg11[%swap3A_1035] {strides = array<i32>} : memref<1024xf32, #tpu.memory_space<vmem>>, vector<16xf32>,
    %swap3A_1037 = vector.shape_cast %swap3A_1036 : vector<16xf32> to vector<16xf32>
    %swap3A_1038 = vector.shape_cast %sub3A_1034 : vector<16xf32> to vector<16xf32>
    tpu.vector_store %arg11[%swap3A_1035], %swap3A_1038 {strides = array<i32>} : memref<1024xf32, #tpu.memory_space<vmem>>, vector<16xf32>,
    %get3A_1039 = arith.constant 0 : i32
    %get3A_1040 = arith.index_cast %get3A_1039 : i32 to index
    %get3A_1041 = arith.constant 896 : index
    %get3A_1042 = tpu.vector_load %arg9[%get3A_1040, %get3A_1041] {strides = array<i32>} : memref<1x1024xf32, #tpu.memory_space<vmem>>, vector<1x16xf32>,
    %get3A_1043 = vector.shape_cast %get3A_1042 : vector<1x16xf32> to vector<16xf32>
    %get3A_1044 = arith.constant 0 : i32
    %get3A_1045 = arith.index_cast %get3A_1044 : i32 to index
    %get3A_1046 = arith.constant 896 : index
    %get3A_1047 = tpu.vector_load %arg10[%get3A_1045, %get3A_1046] {strides = array<i32>} : memref<1x1024xf32, #tpu.memory_space<vmem>>, vector<1x16xf32>,
    %get3A_1048 = vector.shape_cast %get3A_1047 : vector<1x16xf32> to vector<16xf32>
    %sub3A_1049 = arith.subf %get3A_1043, %get3A_1048 : vector<16xf32>
    %swap3A_1050 = arith.constant 896 : index
    %swap3A_1051 = tpu.vector_load %arg11[%swap3A_1050] {strides = array<i32>} : memref<1024xf32, #tpu.memory_space<vmem>>, vector<16xf32>,
    %swap3A_1052 = vector.shape_cast %swap3A_1051 : vector<16xf32> to vector<16xf32>
    %swap3A_1053 = vector.shape_cast %sub3A_1049 : vector<16xf32> to vector<16xf32>
    tpu.vector_store %arg11[%swap3A_1050], %swap3A_1053 {strides = array<i32>} : memref<1024xf32, #tpu.memory_space<vmem>>, vector<16xf32>,
    %get3A_1054 = arith.constant 0 : i32
    %get3A_1055 = arith.index_cast %get3A_1054 : i32 to index
    %get3A_1056 = arith.constant 912 : index
    %get3A_1057 = tpu.vector_load %arg9[%get3A_1055, %get3A_1056] {strides = array<i32>} : memref<1x1024xf32, #tpu.memory_space<vmem>>, vector<1x16xf32>,
    %get3A_1058 = vector.shape_cast %get3A_1057 : vector<1x16xf32> to vector<16xf32>
    %get3A_1059 = arith.constant 0 : i32
    %get3A_1060 = arith.index_cast %get3A_1059 : i32 to index
    %get3A_1061 = arith.constant 912 : index
    %get3A_1062 = tpu.vector_load %arg10[%get3A_1060, %get3A_1061] {strides = array<i32>} : memref<1x1024xf32, #tpu.memory_space<vmem>>, vector<1x16xf32>,
    %get3A_1063 = vector.shape_cast %get3A_1062 : vector<1x16xf32> to vector<16xf32>
    %sub3A_1064 = arith.subf %get3A_1058, %get3A_1063 : vector<16xf32>
    %swap3A_1065 = arith.constant 912 : index
    %swap3A_1066 = tpu.vector_load %arg11[%swap3A_1065] {strides = array<i32>} : memref<1024xf32, #tpu.memory_space<vmem>>, vector<16xf32>,
    %swap3A_1067 = vector.shape_cast %swap3A_1066 : vector<16xf32> to vector<16xf32>
    %swap3A_1068 = vector.shape_cast %sub3A_1064 : vector<16xf32> to vector<16xf32>
    tpu.vector_store %arg11[%swap3A_1065], %swap3A_1068 {strides = array<i32>} : memref<1024xf32, #tpu.memory_space<vmem>>, vector<16xf32>,
    %get3A_1069 = arith.constant 0 : i32
    %get3A_1070 = arith.index_cast %get3A_1069 : i32 to index
    %get3A_1071 = arith.constant 928 : index
    %get3A_1072 = tpu.vector_load %arg9[%get3A_1070, %get3A_1071] {strides = array<i32>} : memref<1x1024xf32, #tpu.memory_space<vmem>>, vector<1x16xf32>,
    %get3A_1073 = vector.shape_cast %get3A_1072 : vector<1x16xf32> to vector<16xf32>
    %get3A_1074 = arith.constant 0 : i32
    %get3A_1075 = arith.index_cast %get3A_1074 : i32 to index
    %get3A_1076 = arith.constant 928 : index
    %get3A_1077 = tpu.vector_load %arg10[%get3A_1075, %get3A_1076] {strides = array<i32>} : memref<1x1024xf32, #tpu.memory_space<vmem>>, vector<1x16xf32>,
    %get3A_1078 = vector.shape_cast %get3A_1077 : vector<1x16xf32> to vector<16xf32>
    %sub3A_1079 = arith.subf %get3A_1073, %get3A_1078 : vector<16xf32>
    %swap3A_1080 = arith.constant 928 : index
    %swap3A_1081 = tpu.vector_load %arg11[%swap3A_1080] {strides = array<i32>} : memref<1024xf32, #tpu.memory_space<vmem>>, vector<16xf32>,
    %swap3A_1082 = vector.shape_cast %swap3A_1081 : vector<16xf32> to vector<16xf32>
    %swap3A_1083 = vector.shape_cast %sub3A_1079 : vector<16xf32> to vector<16xf32>
    tpu.vector_store %arg11[%swap3A_1080], %swap3A_1083 {strides = array<i32>} : memref<1024xf32, #tpu.memory_space<vmem>>, vector<16xf32>,
    %get3A_1084 = arith.constant 0 : i32
    %get3A_1085 = arith.index_cast %get3A_1084 : i32 to index
    %get3A_1086 = arith.constant 944 : index
    %get3A_1087 = tpu.vector_load %arg9[%get3A_1085, %get3A_1086] {strides = array<i32>} : memref<1x1024xf32, #tpu.memory_space<vmem>>, vector<1x16xf32>,
    %get3A_1088 = vector.shape_cast %get3A_1087 : vector<1x16xf32> to vector<16xf32>
    %get3A_1089 = arith.constant 0 : i32
    %get3A_1090 = arith.index_cast %get3A_1089 : i32 to index
    %get3A_1091 = arith.constant 944 : index
    %get3A_1092 = tpu.vector_load %arg10[%get3A_1090, %get3A_1091] {strides = array<i32>} : memref<1x1024xf32, #tpu.memory_space<vmem>>, vector<1x16xf32>,
    %get3A_1093 = vector.shape_cast %get3A_1092 : vector<1x16xf32> to vector<16xf32>
    %sub3A_1094 = arith.subf %get3A_1088, %get3A_1093 : vector<16xf32>
    %swap3A_1095 = arith.constant 944 : index
    %swap3A_1096 = tpu.vector_load %arg11[%swap3A_1095] {strides = array<i32>} : memref<1024xf32, #tpu.memory_space<vmem>>, vector<16xf32>,
    %swap3A_1097 = vector.shape_cast %swap3A_1096 : vector<16xf32> to vector<16xf32>
    %swap3A_1098 = vector.shape_cast %sub3A_1094 : vector<16xf32> to vector<16xf32>
    tpu.vector_store %arg11[%swap3A_1095], %swap3A_1098 {strides = array<i32>} : memref<1024xf32, #tpu.memory_space<vmem>>, vector<16xf32>,
    %get3A_1099 = arith.constant 0 : i32
    %get3A_1100 = arith.index_cast %get3A_1099 : i32 to index
    %get3A_1101 = arith.constant 960 : index
    %get3A_1102 = tpu.vector_load %arg9[%get3A_1100, %get3A_1101] {strides = array<i32>} : memref<1x1024xf32, #tpu.memory_space<vmem>>, vector<1x16xf32>,
    %get3A_1103 = vector.shape_cast %get3A_1102 : vector<1x16xf32> to vector<16xf32>
    %get3A_1104 = arith.constant 0 : i32
    %get3A_1105 = arith.index_cast %get3A_1104 : i32 to index
    %get3A_1106 = arith.constant 960 : index
    %get3A_1107 = tpu.vector_load %arg10[%get3A_1105, %get3A_1106] {strides = array<i32>} : memref<1x1024xf32, #tpu.memory_space<vmem>>, vector<1x16xf32>,
    %get3A_1108 = vector.shape_cast %get3A_1107 : vector<1x16xf32> to vector<16xf32>
    %sub3A_1109 = arith.subf %get3A_1103, %get3A_1108 : vector<16xf32>
    %swap3A_1110 = arith.constant 960 : index
    %swap3A_1111 = tpu.vector_load %arg11[%swap3A_1110] {strides = array<i32>} : memref<1024xf32, #tpu.memory_space<vmem>>, vector<16xf32>,
    %swap3A_1112 = vector.shape_cast %swap3A_1111 : vector<16xf32> to vector<16xf32>
    %swap3A_1113 = vector.shape_cast %sub3A_1109 : vector<16xf32> to vector<16xf32>
    tpu.vector_store %arg11[%swap3A_1110], %swap3A_1113 {strides = array<i32>} : memref<1024xf32, #tpu.memory_space<vmem>>, vector<16xf32>,
    %get3A_1114 = arith.constant 0 : i32
    %get3A_1115 = arith.index_cast %get3A_1114 : i32 to index
    %get3A_1116 = arith.constant 976 : index
    %get3A_1117 = tpu.vector_load %arg9[%get3A_1115, %get3A_1116] {strides = array<i32>} : memref<1x1024xf32, #tpu.memory_space<vmem>>, vector<1x16xf32>,
    %get3A_1118 = vector.shape_cast %get3A_1117 : vector<1x16xf32> to vector<16xf32>
    %get3A_1119 = arith.constant 0 : i32
    %get3A_1120 = arith.index_cast %get3A_1119 : i32 to index
    %get3A_1121 = arith.constant 976 : index
    %get3A_1122 = tpu.vector_load %arg10[%get3A_1120, %get3A_1121] {strides = array<i32>} : memref<1x1024xf32, #tpu.memory_space<vmem>>, vector<1x16xf32>,
    %get3A_1123 = vector.shape_cast %get3A_1122 : vector<1x16xf32> to vector<16xf32>
    %sub3A_1124 = arith.subf %get3A_1118, %get3A_1123 : vector<16xf32>
    %swap3A_1125 = arith.constant 976 : index
    %swap3A_1126 = tpu.vector_load %arg11[%swap3A_1125] {strides = array<i32>} : memref<1024xf32, #tpu.memory_space<vmem>>, vector<16xf32>,
    %swap3A_1127 = vector.shape_cast %swap3A_1126 : vector<16xf32> to vector<16xf32>
    %swap3A_1128 = vector.shape_cast %sub3A_1124 : vector<16xf32> to vector<16xf32>
    tpu.vector_store %arg11[%swap3A_1125], %swap3A_1128 {strides = array<i32>} : memref<1024xf32, #tpu.memory_space<vmem>>, vector<16xf32>,
    %get3A_1129 = arith.constant 0 : i32
    %get3A_1130 = arith.index_cast %get3A_1129 : i32 to index
    %get3A_1131 = arith.constant 992 : index
    %get3A_1132 = tpu.vector_load %arg9[%get3A_1130, %get3A_1131] {strides = array<i32>} : memref<1x1024xf32, #tpu.memory_space<vmem>>, vector<1x16xf32>,
    %get3A_1133 = vector.shape_cast %get3A_1132 : vector<1x16xf32> to vector<16xf32>
    %get3A_1134 = arith.constant 0 : i32
    %get3A_1135 = arith.index_cast %get3A_1134 : i32 to index
    %get3A_1136 = arith.constant 992 : index
    %get3A_1137 = tpu.vector_load %arg10[%get3A_1135, %get3A_1136] {strides = array<i32>} : memref<1x1024xf32, #tpu.memory_space<vmem>>, vector<1x16xf32>,
    %get3A_1138 = vector.shape_cast %get3A_1137 : vector<1x16xf32> to vector<16xf32>
    %sub3A_1139 = arith.subf %get3A_1133, %get3A_1138 : vector<16xf32>
    %swap3A_1140 = arith.constant 992 : index
    %swap3A_1141 = tpu.vector_load %arg11[%swap3A_1140] {strides = array<i32>} : memref<1024xf32, #tpu.memory_space<vmem>>, vector<16xf32>,
    %swap3A_1142 = vector.shape_cast %swap3A_1141 : vector<16xf32> to vector<16xf32>
    %swap3A_1143 = vector.shape_cast %sub3A_1139 : vector<16xf32> to vector<16xf32>
    tpu.vector_store %arg11[%swap3A_1140], %swap3A_1143 {strides = array<i32>} : memref<1024xf32, #tpu.memory_space<vmem>>, vector<16xf32>,
    %get3A_1144 = arith.constant 0 : i32
    %get3A_1145 = arith.index_cast %get3A_1144 : i32 to index
    %get3A_1146 = arith.constant 1008 : index
    %get3A_1147 = tpu.vector_load %arg9[%get3A_1145, %get3A_1146] {strides = array<i32>} : memref<1x1024xf32, #tpu.memory_space<vmem>>, vector<1x16xf32>,
    %get3A_1148 = vector.shape_cast %get3A_1147 : vector<1x16xf32> to vector<16xf32>
    %get3A_1149 = arith.constant 0 : i32
    %get3A_1150 = arith.index_cast %get3A_1149 : i32 to index
    %get3A_1151 = arith.constant 1008 : index
    %get3A_1152 = tpu.vector_load %arg10[%get3A_1150, %get3A_1151] {strides = array<i32>} : memref<1x1024xf32, #tpu.memory_space<vmem>>, vector<1x16xf32>,
    %get3A_1153 = vector.shape_cast %get3A_1152 : vector<1x16xf32> to vector<16xf32>
    %sub3A_1154 = arith.subf %get3A_1148, %get3A_1153 : vector<16xf32>
    %swap3A_1155 = arith.constant 1008 : index
    %swap3A_1156 = tpu.vector_load %arg11[%swap3A_1155] {strides = array<i32>} : memref<1024xf32, #tpu.memory_space<vmem>>, vector<16xf32>,
    %swap3A_1157 = vector.shape_cast %swap3A_1156 : vector<16xf32> to vector<16xf32>
    %swap3A_1158 = vector.shape_cast %sub3A_1154 : vector<16xf32> to vector<16xf32>
    tpu.vector_store %arg11[%swap3A_1155], %swap3A_1158 {strides = array<i32>} : memref<1024xf32, #tpu.memory_space<vmem>>, vector<16xf32>,
    %add3A_1159 = arith.constant 768 : i32
    %add3A_1160 = arith.addi %mul3A_0, %add3A_1159 : i32
    %dma_start3A_1161 = arith.constant 768 : i32
    %dma_start3A_1162 = tpu.memref_slice %arg11[%dma_start3A_1161] : memref<1024xf32, #tpu.memory_space<vmem>> -> memref<256xf32, #tpu.memory_space<vmem>>
    %dma_start3A_1163 = tpu.memref_slice %arg6[%add3A_1160] : memref<16384xf32, #tpu.memory_space<hbm>> -> memref<256xf32, #tpu.memory_space<hbm>>
    %dma_start3A_1164 = tpu.memref_slice %arg6[%add3A_1160] : memref<16384xf32, #tpu.memory_space<hbm>> -> memref<256xf32, #tpu.memory_space<hbm>>
    %dma_start3A_1165 = arith.constant 768 : i32
    %dma_start3A_1166 = tpu.memref_slice %arg11[%dma_start3A_1165] : memref<1024xf32, #tpu.memory_space<vmem>> -> memref<256xf32, #tpu.memory_space<vmem>>
    tpu.enqueue_dma source(%dma_start3A_1166 : memref<256xf32, #tpu.memory_space<vmem>>) target(%dma_start3A_1164 : memref<256xf32, #tpu.memory_space<hbm>>) target_semaphore(%arg17 : memref<!tpu.dma_semaphore, #tpu.memory_space<semaphore_mem>>)
    %dma_wait3A_1167 = arith.constant 0 : i32
    %dma_wait3A_1168 = tpu.memref_slice %arg11[%dma_wait3A_1167] : memref<1024xf32, #tpu.memory_space<vmem>> -> memref<256xf32, #tpu.memory_space<vmem>>
    %dma_wait3A_1169 = tpu.memref_slice %arg6[%add3A_362] : memref<16384xf32, #tpu.memory_space<hbm>> -> memref<256xf32, #tpu.memory_space<hbm>>
    %dma_wait3A_1170 = tpu.memref_slice %arg6[%add3A_362] : memref<16384xf32, #tpu.memory_space<hbm>> -> memref<256xf32, #tpu.memory_space<hbm>>
    %dma_wait3A_1171 = arith.constant 0 : i32
    %dma_wait3A_1172 = tpu.memref_slice %arg11[%dma_wait3A_1171] : memref<1024xf32, #tpu.memory_space<vmem>> -> memref<256xf32, #tpu.memory_space<vmem>>
    tpu.wait_dma2 semaphore(%arg14 : memref<!tpu.dma_semaphore, #tpu.memory_space<semaphore_mem>>) src(%dma_wait3A_1172 : memref<256xf32, #tpu.memory_space<vmem>>) dst(%dma_wait3A_1170 : memref<256xf32, #tpu.memory_space<hbm>>)
    %dma_wait3A_1173 = arith.constant 256 : i32
    %dma_wait3A_1174 = tpu.memref_slice %arg11[%dma_wait3A_1173] : memref<1024xf32, #tpu.memory_space<vmem>> -> memref<256xf32, #tpu.memory_space<vmem>>
    %dma_wait3A_1175 = tpu.memref_slice %arg6[%add3A_628] : memref<16384xf32, #tpu.memory_space<hbm>> -> memref<256xf32, #tpu.memory_space<hbm>>
    %dma_wait3A_1176 = tpu.memref_slice %arg6[%add3A_628] : memref<16384xf32, #tpu.memory_space<hbm>> -> memref<256xf32, #tpu.memory_space<hbm>>
    %dma_wait3A_1177 = arith.constant 256 : i32
    %dma_wait3A_1178 = tpu.memref_slice %arg11[%dma_wait3A_1177] : memref<1024xf32, #tpu.memory_space<vmem>> -> memref<256xf32, #tpu.memory_space<vmem>>
    tpu.wait_dma2 semaphore(%arg15 : memref<!tpu.dma_semaphore, #tpu.memory_space<semaphore_mem>>) src(%dma_wait3A_1178 : memref<256xf32, #tpu.memory_space<vmem>>) dst(%dma_wait3A_1176 : memref<256xf32, #tpu.memory_space<hbm>>)
    %dma_wait3A_1179 = arith.constant 512 : i32
    %dma_wait3A_1180 = tpu.memref_slice %arg11[%dma_wait3A_1179] : memref<1024xf32, #tpu.memory_space<vmem>> -> memref<256xf32, #tpu.memory_space<vmem>>
    %dma_wait3A_1181 = tpu.memref_slice %arg6[%add3A_894] : memref<16384xf32, #tpu.memory_space<hbm>> -> memref<256xf32, #tpu.memory_space<hbm>>
    %dma_wait3A_1182 = tpu.memref_slice %arg6[%add3A_894] : memref<16384xf32, #tpu.memory_space<hbm>> -> memref<256xf32, #tpu.memory_space<hbm>>
    %dma_wait3A_1183 = arith.constant 512 : i32
    %dma_wait3A_1184 = tpu.memref_slice %arg11[%dma_wait3A_1183] : memref<1024xf32, #tpu.memory_space<vmem>> -> memref<256xf32, #tpu.memory_space<vmem>>
    tpu.wait_dma2 semaphore(%arg16 : memref<!tpu.dma_semaphore, #tpu.memory_space<semaphore_mem>>) src(%dma_wait3A_1184 : memref<256xf32, #tpu.memory_space<vmem>>) dst(%dma_wait3A_1182 : memref<256xf32, #tpu.memory_space<hbm>>)
    %dma_wait3A_1185 = arith.constant 768 : i32
    %dma_wait3A_1186 = tpu.memref_slice %arg11[%dma_wait3A_1185] : memref<1024xf32, #tpu.memory_space<vmem>> -> memref<256xf32, #tpu.memory_space<vmem>>
    %dma_wait3A_1187 = tpu.memref_slice %arg6[%add3A_1160] : memref<16384xf32, #tpu.memory_space<hbm>> -> memref<256xf32, #tpu.memory_space<hbm>>
    %dma_wait3A_1188 = tpu.memref_slice %arg6[%add3A_1160] : memref<16384xf32, #tpu.memory_space<hbm>> -> memref<256xf32, #tpu.memory_space<hbm>>
    %dma_wait3A_1189 = arith.constant 768 : i32
    %dma_wait3A_1190 = tpu.memref_slice %arg11[%dma_wait3A_1189] : memref<1024xf32, #tpu.memory_space<vmem>> -> memref<256xf32, #tpu.memory_space<vmem>>
    tpu.wait_dma2 semaphore(%arg17 : memref<!tpu.dma_semaphore, #tpu.memory_space<semaphore_mem>>) src(%dma_wait3A_1190 : memref<256xf32, #tpu.memory_space<vmem>>) dst(%dma_wait3A_1188 : memref<256xf32, #tpu.memory_space<hbm>>)
    return
  }
}

</mosaic_0001>

<sc_bundles>
// kernel: kernel.3.cloned.1.call-start
scs
__scs_entry_jumppad:
0x0: {  	(pc) =	sbr.rel $0x88, $3  }
0x1: {  	(tag) =	ssettag $0x0;
	lr =	simm.s32 $0x1  }
0x2: {  	[smem:$0x3F9D] =	sst lr;
	_ =	strace $0xD0000000  }
0x3: {  	_ = 	snop  }
0x4: {  	_ = 	snop  }
0x5: {  	_ = 	snop  }
0x6: {  	_ = 	snop  }
0x7: {  	_ = 	snop  }
__scs_overlays_trampoline_lowered:
0x8: {  	[smem:$0x3FAC] =	sst s0  }
0x9: {  	[smem:$0x3FAD] =	sst s1  }
0xa: {  	[smem:$0x3FAE] =	sst s2  }
0xb: {  	[smem:$0x3FAF] =	sst s3  }
0xc: {  	[smem:$0x3FB0] =	sst s4  }
0xd: {  	[smem:$0x3FB1] =	sst s5  }
0xe: {  	[smem:$0x3FB2] =	sst s6  }
0xf: {  	[smem:$0x3FB3] =	sst s7  }
0x10: {  	[smem:$0x3FB4] =	sst s8  }
0x11: {  	[smem:$0x3FB5] =	sst s9;
	s0 =	simm.s32 @!p0 $0x0  }
0x12: {  	s1 =	sld [smem:$0x3F9B];
	s0 =	simm.s32 @p0 $0x1  }
0x13: {  	[smem:$0x3FB6] =	sst s0;
	s0 =	simm.s32 @!p1 $0x0  }
0x14: {  	s2 =	sld [smem:$0x3F9A];
	s0 =	simm.s32 @p1 $0x1  }
0x15: {  	[smem:$0x3FB7] =	sst s0;
	s0 =	simm.s32 @!p2 $0x0  }
0x16: {  	s3 =	sld [smem:$0x3FDB];
	s0 =	simm.s32 @p2 $0x1  }
0x17: {  	s4 =	simm.s32 $0x1BF5;
	[smem:$0x3FB9] =	sst s0  }
0x18: {  	s0 =	sld [smem:$0x3F9C];
	_ =	swait.ge [sflag:s4], $0x0  }
0x19: {  	s7 =	sld [smem:$0x3F9D]  }
0x1a: {  	s8 =	sadd.s32 $0xFFFFE003, lr  }
0x1b: {  	s9 =	sadd.s32 $0xFFFFFEF7, lr;
	s5 =	simm.s32 $0xFFFFFFFF;
	p2 =	slt.u32 s8, $0xFFFFF086  }
0x1c: {  	p1 =	slt.u32 s9, $0xF7A;
	s5 =	simm.s32 @!p2 $0x0  }
0x1d: {  	s5 =	simm.s32 @p1 $0x1;
	p0 =	seq.s32 s7, s2  }
0x1e: {  	s7 =	smul.u32 @!p0 $0xF7A, s2;
	p2 =	seq.s32 @!p0 s5, $0x0  }
0x1f: {  	s9 =	smul.u32 $0xF7A, s1;
	s8 =	simm.s32 @!p0 $0x1BF5;
	p2 =	por !p2, p0  }
0x20: {  	[sflag:s8] =	ssyncset.s32 @!p0 $0xFFFFF086;
	s6 =	sadd.s32 @!p0 s3, s7;
	s7 =	simm.s32 @!p0 $0x108  }
0x21: {  	s3 =	sadd.s32 s3, s9;
	s6 =	sadd.s32 @!p0 $0x88, s6;
	s7 =	simm.s32 @p2 $0x1082  }
0x22: {  	[simem:s7], [sflag:s8] =	dma.local @!p0 [hbm:s6], $0xF7A  }
0x23: {  	s9 =	sor.u32 $0xD0000000, s2;
	s6 =	simm.s32 $0x108;
	_ =	swait.ge @!p0 [sflag:s8], $0x0  }
0x24: {  	s3 =	sadd.s32 $0x88, s3;
	s6 =	simm.s32 @!p1 $0x1082;
	[sflag:s4] =	ssyncset.s32 $0xFFFFF086  }
0x25: {  	[simem:s6], [sflag:s4] =	dma.local [hbm:s3], $0xF7A  }
0x26: {  	[smem:$0x3F9D] =	sst s1;
	(tag) =	ssettag s2;
	_ =	strace s9  }
0x27: {  	s1 =	sld [smem:$0x3FAD]  }
0x28: {  	s2 =	sld [smem:$0x3FAE]  }
0x29: {  	s4 =	sld [smem:$0x3FB0]  }
0x2a: {  	p0 =	seq.s32 s5, $0x0;
	s5 =	sld [smem:$0x3FB1]  }
0x2b: {  	s6 =	sld [smem:$0x3FB2]  }
0x2c: {  	s7 =	sld [smem:$0x3FB3]  }
0x2d: {  	s3 =	simm.s32 $0x108;
	s8 =	sld [smem:$0x3FB4]  }
0x2e: {  	s3 =	simm.s32 @!p0 $0x1082;
	s9 =	sld [smem:$0x3FB5]  }
0x2f: {  	lr =	sadd.s32 s0, s3;
	s0 =	sld [smem:$0x3FAC]  }
0x30: {  	s3 =	sld [smem:$0x3FAF]  }
0x31: {  	[smem:$0x3FB8] =	sst s10  }
0x32: {  	s10 =	sld [smem:$0x3FB6];
	_ =	sdelay $0x3  }
0x33: {  	p0 =	seq.s32 s10, $0x1;
	s10 =	sld [smem:$0x3FB8];
	_ =	sdelay $0x3  }
0x34: {  	[smem:$0x3FB8] =	sst s10  }
0x35: {  	s10 =	sld [smem:$0x3FB7];
	_ =	sdelay $0x3  }
0x36: {  	p1 =	seq.s32 s10, $0x1;
	s10 =	sld [smem:$0x3FB8];
	_ =	sdelay $0x3  }
0x37: {  	[smem:$0x3FB8] =	sst s10  }
0x38: {  	s10 =	sld [smem:$0x3FB9]  }
0x39: {  	_ = 	snop;
	(pc) =	sbr.ind lr, $3  }
0x3a: {  	_ = 	snop  }
0x3b: {  	_ = 	snop  }
0x3c: {  	p2 =	seq.s32 s10, $0x1;
	s10 =	sld [smem:$0x3FB8]  }
0x3d: {  	_ =	shalt  }
0x3e: {  	_ =	shalt  }
0x3f: {  	_ =	shalt  }
0x40: {  	_ =	shalt  }
0x41: {  	_ =	shalt  }
0x42: {  	_ =	shalt  }
0x43: {  	_ =	shalt  }
0x44: {  	_ =	shalt  }
0x45: {  	_ =	shalt  }
0x46: {  	_ =	shalt  }
0x47: {  	_ =	shalt  }
0x48: {  	_ =	shalt  }
0x49: {  	_ =	shalt  }
0x4a: {  	_ =	shalt  }
0x4b: {  	_ =	shalt  }
0x4c: {  	_ =	shalt  }
0x4d: {  	_ =	shalt  }
0x4e: {  	_ =	shalt  }
0x4f: {  	_ =	shalt  }
0x50: {  	_ =	shalt  }
0x51: {  	_ =	shalt  }
0x52: {  	_ =	shalt  }
0x53: {  	_ =	shalt  }
0x54: {  	_ =	shalt  }
0x55: {  	_ =	shalt  }
0x56: {  	_ =	shalt  }
0x57: {  	_ =	shalt  }
0x58: {  	_ =	shalt  }
0x59: {  	_ =	shalt  }
0x5a: {  	_ =	shalt  }
0x5b: {  	_ =	shalt  }
0x5c: {  	_ =	shalt  }
0x5d: {  	_ =	shalt  }
0x5e: {  	_ =	shalt  }
0x5f: {  	_ =	shalt  }
0x60: {  	_ =	shalt  }
0x61: {  	_ =	shalt  }
0x62: {  	_ =	shalt  }
0x63: {  	_ =	shalt  }
0x64: {  	_ =	shalt  }
0x65: {  	_ =	shalt  }
0x66: {  	_ =	shalt  }
0x67: {  	_ =	shalt  }
0x68: {  	_ =	shalt  }
0x69: {  	_ =	shalt  }
0x6a: {  	_ =	shalt  }
0x6b: {  	_ =	shalt  }
0x6c: {  	_ =	shalt  }
0x6d: {  	_ =	shalt  }
0x6e: {  	_ =	shalt  }
0x6f: {  	_ =	shalt  }
0x70: {  	_ =	shalt  }
0x71: {  	_ =	shalt  }
0x72: {  	_ =	shalt  }
0x73: {  	_ =	shalt  }
0x74: {  	_ =	shalt  }
0x75: {  	_ =	shalt  }
0x76: {  	_ =	shalt  }
0x77: {  	_ =	shalt  }
0x78: {  	_ =	shalt  }
0x79: {  	_ =	shalt  }
0x7a: {  	_ =	shalt  }
0x7b: {  	_ =	shalt  }
0x7c: {  	_ =	shalt  }
0x7d: {  	_ =	shalt  }
0x7e: {  	_ =	shalt  }
0x7f: {  	_ =	shalt  }
0x80: {  	_ =	shalt  }
0x81: {  	_ =	shalt  }
0x82: {  	_ =	shalt  }
0x83: {  	_ =	shalt  }
0x84: {  	_ =	shalt  }
0x85: {  	_ =	shalt  }
0x86: {  	_ =	shalt  }
0x87: {  	_ =	shalt  }
.Lfunc_end0:
.L_simem_size_0:
called_computation_lowered:
.L_overlay_start_0:
0x88: {  	s0 =	sld [smem:$0x3FD9]  }
0x89: {  	s1 =	sld [smem:$0x3FFE];
	_ =	sdelay $0x3  }
0x8a: {  	s0 =	sadd.s32 s1, s0  }
0x8b: {  	[smem:$0x3FC4] =	sst s0  }
0x8c: {  	_ = 	snop  }
0x8d: {  	s0 =	sld [smem:$0x3FC9]  }
0x8e: {  	s17 =	sld [smem:$0x3FC8]  }
0x8f: {  	s2 =	sld [smem:$0x3FC7]  }
0x90: {  	s3 =	sld [smem:$0x3FC6]  }
0x91: {  	s4 =	sld [smem:$0x3FD0];
	(tm) =	ssettm $0x1  }
0x92: {  	s5 =	sld [smem:$0x3FFB];
	_ =	sdelay $0x3  }
0x93: {  	_ =	strace s5  }
0x94: {  	s5 =	sld [smem:$0x3FFC];
	_ =	sdelay $0x3  }
0x95: {  	_ =	strace s5  }
0x96: {  	s5 =	sld [smem:$0x3FFD];
	_ =	sdelay $0x3  }
0x97: {  	_ =	strace s5  }
0x98: {  	_ =	strace $0x8FFFFFFF  }
0x99: {  	s18 =	sld [smem:$0x3FDB];
	_ =	sdelay $0x1  }
0x9a: {  	s6 =	simm.s32 $_scs_section_size  }
0x9b: {  	s7 =	simm.s32 $_size__tile_overlayer_lowered;
	s8 =	simm.s32 $_tile_overlayer_lowered  }
0x9c: {  	s21 =	simm.s32 $0x1BFF;
	s20 =	sshll.u32 s8, $0x1;
	s5 =	sadd.s32 s6, s18  }
0x9d: {  	s9 =	simm.s32 $0x0;
	s19 =	sshll.u32 s7, $0x1;
	s7 =	sadd.s32 s20, s5  }
0x9e: {  	[timem:s9], [sflag:s21] =	dma.local [hbm:s7], s19  }
0x9f: {  	_ =	swait.ge [sflag:s21], s19  }
0xa0: {  	s6 =	ssub.s32 $0x0, s19;
	[sflag:s21] =	ssyncset.done $0x0  }
0xa1: {  	[sflag:s21] =	ssyncadd.s32 s6;
	_ =	sdelay $0x1  }
0xa2: {  	s22 =	simm.s32 $0x1B8B  }
0xa3: {  	_ =	swait.ge [sflag:s22], $0x1  }
0xa4: {  	[sflag:s22] =	ssyncset.done $0x0  }
0xa5: {  	s23 =	simm.s32 $0x1B8E;
	[sflag:s22] =	ssyncadd.s32 $0xFFFFFFFF  }
0xa6: {  	s24 =	simm.s32 $execute0_lowered;
	[smem:$0x3FD2] =	sst s23  }
0xa7: {  	s6 =	sshll.u32 s24, $0x1;
	_ =	strace $0x80000046;
	[dreg:$0x1] =	wrdreg $0xFFFFFFFF  }
0xa8: {  	s25 =	simm.s32 $_size_execute0_lowered;
	s5 =	sadd.s32 s5, s6;
	[dreg:$0x0] =	wrdreg $0x0  }
0xa9: {  	s6 =	sshll.u32 s25, $0x1;
	[dreg:$0x2] =	wrdreg s5  }
0xaa: {  	[dreg:$0x3] =	wrdreg s6  }
0xab: {  	[dreg:$0x4] =	wrdreg $0xC0  }
0xac: {  	_ =	task [dreg:s9], $0x5FFFF  }
0xad: {  	[dreg:$0x1] =	wrdreg $0xFFFFFFFF  }
0xae: {  	[dreg:$0x0] =	wrdreg $0x60  }
0xaf: {  	[dreg:$0x2] =	wrdreg s0  }
0xb0: {  	[dreg:$0x3] =	wrdreg s17  }
0xb1: {  	[dreg:$0x4] =	wrdreg s2  }
0xb2: {  	[dreg:$0x5] =	wrdreg s3  }
0xb3: {  	[dreg:$0x6] =	wrdreg s4  }
0xb4: {  	[dreg:$0x7] =	wrdreg $0x9  }
0xb5: {  	_ =	task.clear_ibuf [dreg:s9], $0x8FFFF;
	_ =	strace $0x90000046  }
0xb6: {  	s26 =	simm.s32 $0x9;
	_ =	strace $0x80000048  }
0xb7: {  	_ =	swait.ge [sflag:s26], $0x1  }
0xb8: {  	[sflag:s26] =	ssyncadd.s32 $0xFFFFFFFF  }
0xb9: {  	_ =	strace $0x90000048  }
0xba: {  	_ =	sfence  }
0xbb: {  	s28 =	sld [smem:$0x0];
	_ =	sdelay $0x1  }
0xbc: {  	s29 =	srdreg.scid  }
0xbd: {  	s30 =	sshll.u32 s29, $0xD;
	s31 =	sshrl.u32 s29, $0x2  }
0xbe: {  	s1 =	sand.u32 $0x1, s29;
	s2 =	sand.u32 $0x4000, s30;
	s0 =	sadd.s32 s31, s28  }
0xbf: {  	s1 =	sor.u32 s2, s1;
	s0 =	sshll.u32 s0, $0x11  }
0xc0: {  	s0 =	sor.u32 s0, s1  }
0xc1: {  	s0 =	sadd.s32 $0x8F2B, s0  }
0xc2: {  	[sflag:s0] =	ssyncadd.remote.s32 $0x1  }
0xc3: {  	_ =	sfence.sel $0xFFFF  }
0xc4: {  	[dreg:$0x0] =	wrdreg $0xFFFFFFFF;
	(pc) =	sbr.abs _section_cstart, $3  }
0xc5: {  	[dreg:$0x1] =	wrdreg $0xFFFFFFFF  }
0xc6: {  	_ =	task.clear_ibuf [dreg:s9], $0x2FFFF;
	_ =	strace $0x9FFFFFFF  }
0xc7: {  	(tm) =	ssettm $0x7FFFFFFF  }
tec
execute0_lowered:
.L_overlay_start_1:
0x0: {  	(tag) =	ssettag $0x1  }
0x1: {  	s3 =	rddreg [dreg:$0x0]  }
0x2: {  	s6 =	rddreg [dreg:$0x1]  }
0x3: {  	s7 =	rddreg [dreg:$0x2]  }
0x4: {  	s8 =	rddreg [dreg:$0x3]  }
0x5: {  	s4 =	rddreg [dreg:$0x4];
	s2 =	simm.s32 $0x0;
	s1 =	stileid.u32  }
0x6: {  	[smem:$0x7FF] =	sst s2;
	s5 =	sshll.u32 s1, $0x7  }
0x7: {  	s0 =	rddreg [dreg:$0x5];
	_ =	strace $0x80000047;
	s3 =	sadd.s32 s3, s5  }
0x8: {  	[tilespmem:s2], [sflag:$0x1] =	stream.linear.gather [hbm4b:s3+s2], $0x400, $0x38;
	[tilespmem:$0x1400] =	vst v63  }
0x9: {  	s26 =	simm.s32 $0x400;
	s28 =	simm.s32 $0x1;
	s25 =	sadd.s32 s6, s5  }
0xa: {  	[tilespmem:s26], [sflag:$0x2] =	stream.linear.gather [hbm4b:s25+s2], $0x400, $0x38;
	[tilespmem:$0x1400] =	vst v63  }
0xb: {  	_ =	swait.ge [sflag:s28], $0x400  }
0xc: {  	[sflag:s28] =	ssyncset.done $0x0  }
0xd: {  	s29 =	simm.s32 $0x2;
	[sflag:s28] =	ssyncadd.s32 $0xFFFFFC00  }
0xe: {  	_ =	swait.ge [sflag:s29], $0x400  }
0xf: {  	[sflag:s29] =	ssyncset.done $0x0  }
0x10: {  	s30 =	simm.s32 $0x100;
	s9 =	simm.s32 $0x800;
	[sflag:s29] =	ssyncadd.s32 $0xFFFFFC00  }
0x11: {  	[tilespmem:s9], [sflag:$0x3] =	stream.indirect.gather [hbm4b:s7+s30], $0x1, s2, s30, $0xb8;
	[tilespmem:$0x1400] =	vst v63  }
0x12: {  	s31 =	simm.s32 $0xC00  }
0x13: {  	[tilespmem:s31], [sflag:$0x3] =	stream.indirect.gather [hbm4b:s8+s30], $0x1, s26, s30, $0xb8;
	[tilespmem:$0x1400] =	vst v63  }
0x14: {  	s10 =	simm.s32 $0x900  }
0x15: {  	[tilespmem:s10], [sflag:$0x4] =	stream.indirect.gather [hbm4b:s7+s30], $0x1, s30, s30, $0xb8;
	[tilespmem:$0x1400] =	vst v63  }
0x16: {  	s11 =	simm.s32 $0x500;
	s12 =	simm.s32 $0xD00  }
0x17: {  	[tilespmem:s12], [sflag:$0x4] =	stream.indirect.gather [hbm4b:s8+s30], $0x1, s11, s30, $0xb8;
	[tilespmem:$0x1400] =	vst v63  }
0x18: {  	s13 =	simm.s32 $0x200;
	s14 =	simm.s32 $0xA00  }
0x19: {  	[tilespmem:s14], [sflag:$0x5] =	stream.indirect.gather [hbm4b:s7+s30], $0x1, s13, s30, $0xb8;
	[tilespmem:$0x1400] =	vst v63  }
0x1a: {  	s15 =	simm.s32 $0x600;
	s16 =	simm.s32 $0xE00  }
0x1b: {  	[tilespmem:s16], [sflag:$0x5] =	stream.indirect.gather [hbm4b:s8+s30], $0x1, s15, s30, $0xb8;
	[tilespmem:$0x1400] =	vst v63  }
0x1c: {  	s17 =	simm.s32 $0x300;
	s18 =	simm.s32 $0xB00  }
0x1d: {  	[tilespmem:s18], [sflag:$0x6] =	stream.indirect.gather [hbm4b:s7+s30], $0x1, s17, s30, $0xb8;
	[tilespmem:$0x1400] =	vst v63  }
0x1e: {  	s19 =	simm.s32 $0x700;
	s20 =	simm.s32 $0xF00;
	s21 =	simm.s32 $0x3  }
0x1f: {  	[tilespmem:s20], [sflag:$0x6] =	stream.indirect.gather [hbm4b:s8+s30], $0x1, s19, s30, $0xb8;
	[tilespmem:$0x1400] =	vst v63  }
0x20: {  	_ =	swait.ge [sflag:s21], $0x100  }
0x21: {  	[sflag:s21] =	ssyncset.done $0x0  }
0x22: {  	[sflag:s21] =	ssyncadd.s32 $0xFFFFFF00  }
0x23: {  	_ =	swait.ge [sflag:s21], $0x100  }
0x24: {  	[sflag:s21] =	ssyncset.done $0x0  }
0x25: {  	[sflag:s21] =	ssyncadd.s32 $0xFFFFFF00  }
0x26: {  	v0 =	vld [tilespmem:$0x800]  }
0x27: {  	v1 =	vld [tilespmem:$0xC00]  }
0x28: {  	v2 =	vld [tilespmem:$0x810]  }
0x29: {  	v3 =	vld [tilespmem:$0xC10]  }
0x2a: {  	v4 =	vld [tilespmem:$0x820]  }
0x2b: {  	v5 =	vld [tilespmem:$0xC20]  }
0x2c: {  	v6 =	vld [tilespmem:$0x830]  }
0x2d: {  	v7 =	vld [tilespmem:$0xC30]  }
0x2e: {  	v8 =	vld [tilespmem:$0x840]  }
0x2f: {  	v9 =	vld [tilespmem:$0xC40]  }
0x30: {  	v10 =	vld [tilespmem:$0x850]  }
0x31: {  	v11 =	vld [tilespmem:$0xC50]  }
0x32: {  	v12 =	vld [tilespmem:$0x860]  }
0x33: {  	v13 =	vld [tilespmem:$0xC60]  }
0x34: {  	v14 =	vld [tilespmem:$0x870]  }
0x35: {  	v15 =	vld [tilespmem:$0xC70]  }
0x36: {  	v16 =	vld [tilespmem:$0x880]  }
0x37: {  	v17 =	vld [tilespmem:$0xC80]  }
0x38: {  	v18 =	vld [tilespmem:$0x890]  }
0x39: {  	v19 =	vld [tilespmem:$0xC90]  }
0x3a: {  	v20 =	vld [tilespmem:$0x8A0]  }
0x3b: {  	v25 =	vld [tilespmem:$0xCA0];
	v0 =	vsub.f32 v0, v1  }
0x3c: {  	v26 =	vld [tilespmem:$0x8B0];
	v2 =	vsub.f32 v2, v3  }
0x3d: {  	v28 =	vld [tilespmem:$0xCB0];
	v27 =	vsub.f32 v4, v5;
	[tilespmem:$0x1000] =	vst v0  }
0x3e: {  	v30 =	vld [tilespmem:$0x8C0];
	v29 =	vsub.f32 v6, v7;
	[tilespmem:$0x1010] =	vst v2  }
0x3f: {  	v32 =	vld [tilespmem:$0xCC0];
	v31 =	vsub.f32 v8, v9;
	[tilespmem:$0x1020] =	vst v27  }
0x40: {  	v34 =	vld [tilespmem:$0x8D0];
	v33 =	vsub.f32 v10, v11;
	[tilespmem:$0x1030] =	vst v29  }
0x41: {  	v36 =	vld [tilespmem:$0xCD0];
	v35 =	vsub.f32 v12, v13;
	[tilespmem:$0x1040] =	vst v31  }
0x42: {  	v38 =	vld [tilespmem:$0x8E0];
	v37 =	vsub.f32 v14, v15;
	[tilespmem:$0x1050] =	vst v33  }
0x43: {  	v40 =	vld [tilespmem:$0xCE0];
	v39 =	vsub.f32 v16, v17;
	[tilespmem:$0x1060] =	vst v35  }
0x44: {  	v42 =	vld [tilespmem:$0x8F0];
	v41 =	vsub.f32 v18, v19;
	[tilespmem:$0x1070] =	vst v37  }
0x45: {  	v44 =	vld [tilespmem:$0xCF0];
	v43 =	vsub.f32 v20, v25;
	[tilespmem:$0x1080] =	vst v39  }
0x46: {  	v45 =	vsub.f32 v26, v28;
	[tilespmem:$0x1090] =	vst v41  }
0x47: {  	v46 =	vsub.f32 v30, v32;
	[tilespmem:$0x10A0] =	vst v43  }
0x48: {  	v47 =	vsub.f32 v34, v36;
	[tilespmem:$0x10B0] =	vst v45  }
0x49: {  	v48 =	vsub.f32 v38, v40;
	[tilespmem:$0x10C0] =	vst v46  }
0x4a: {  	v1 =	vsub.f32 v42, v44;
	[tilespmem:$0x10D0] =	vst v47  }
0x4b: {  	[tilespmem:$0x10E0] =	vst v48  }
0x4c: {  	s22 =	simm.s32 $0x1000;
	s23 =	simm.s32 $0x4;
	s5 =	sadd.s32 s4, s5;
	[tilespmem:$0x10F0] =	vst v1  }
0x4d: {  	[hbm4b:s5+s2] =	stream.linear.scatter [tilespmem:s22], [sflag:$0x3], $0x100, $0x38;
	[tilespmem:$0x1400] =	vst v63  }
0x4e: {  	_ =	swait.ge [sflag:s23], $0x100  }
0x4f: {  	[sflag:s23] =	ssyncset.done $0x0  }
0x50: {  	[sflag:s23] =	ssyncadd.s32 $0xFFFFFF00  }
0x51: {  	_ =	swait.ge [sflag:s23], $0x100  }
0x52: {  	[sflag:s23] =	ssyncset.done $0x0  }
0x53: {  	[sflag:s23] =	ssyncadd.s32 $0xFFFFFF00  }
0x54: {  	v49 =	vld [tilespmem:$0x900]  }
0x55: {  	v50 =	vld [tilespmem:$0xD00]  }
0x56: {  	v51 =	vld [tilespmem:$0x910]  }
0x57: {  	v52 =	vld [tilespmem:$0xD10]  }
0x58: {  	v53 =	vld [tilespmem:$0x920]  }
0x59: {  	v54 =	vld [tilespmem:$0xD20]  }
0x5a: {  	v55 =	vld [tilespmem:$0x930]  }
0x5b: {  	v56 =	vld [tilespmem:$0xD30]  }
0x5c: {  	v57 =	vld [tilespmem:$0x940]  }
0x5d: {  	v58 =	vld [tilespmem:$0xD40]  }
0x5e: {  	v59 =	vld [tilespmem:$0x950]  }
0x5f: {  	v60 =	vld [tilespmem:$0xD50]  }
0x60: {  	v61 =	vld [tilespmem:$0x960]  }
0x61: {  	v62 =	vld [tilespmem:$0xD60]  }
0x62: {  	v63 =	vld [tilespmem:$0x970]  }
0x63: {  	v24 =	vld [tilespmem:$0xD70]  }
0x64: {  	v25 =	vld [tilespmem:$0x980]  }
0x65: {  	v26 =	vld [tilespmem:$0xD80]  }
0x66: {  	v27 =	vld [tilespmem:$0x990]  }
0x67: {  	v28 =	vld [tilespmem:$0xD90]  }
0x68: {  	v29 =	vld [tilespmem:$0x9A0]  }
0x69: {  	v30 =	vld [tilespmem:$0xDA0];
	v0 =	vsub.f32 v49, v50  }
0x6a: {  	v31 =	vld [tilespmem:$0x9B0];
	v2 =	vsub.f32 v51, v52  }
0x6b: {  	v33 =	vld [tilespmem:$0xDB0];
	v32 =	vsub.f32 v53, v54;
	[tilespmem:$0x1100] =	vst v0  }
0x6c: {  	v35 =	vld [tilespmem:$0x9C0];
	v34 =	vsub.f32 v55, v56;
	[tilespmem:$0x1110] =	vst v2  }
0x6d: {  	v37 =	vld [tilespmem:$0xDC0];
	v36 =	vsub.f32 v57, v58;
	[tilespmem:$0x1120] =	vst v32  }
0x6e: {  	v39 =	vld [tilespmem:$0x9D0];
	v38 =	vsub.f32 v59, v60;
	[tilespmem:$0x1130] =	vst v34  }
0x6f: {  	v41 =	vld [tilespmem:$0xDD0];
	v40 =	vsub.f32 v61, v62;
	[tilespmem:$0x1140] =	vst v36  }
0x70: {  	v43 =	vld [tilespmem:$0x9E0];
	v42 =	vsub.f32 v63, v24;
	[tilespmem:$0x1150] =	vst v38  }
0x71: {  	v45 =	vld [tilespmem:$0xDE0];
	v44 =	vsub.f32 v25, v26;
	[tilespmem:$0x1160] =	vst v40  }
0x72: {  	v47 =	vld [tilespmem:$0x9F0];
	v46 =	vsub.f32 v27, v28;
	[tilespmem:$0x1170] =	vst v42  }
0x73: {  	v48 =	vsub.f32 v29, v30;
	v49 =	vld [tilespmem:$0xDF0];
	[tilespmem:$0x1180] =	vst v44  }
0x74: {  	v50 =	vsub.f32 v31, v33;
	[tilespmem:$0x1190] =	vst v46  }
0x75: {  	v51 =	vsub.f32 v35, v37;
	[tilespmem:$0x11A0] =	vst v48  }
0x76: {  	v52 =	vsub.f32 v39, v41;
	[tilespmem:$0x11B0] =	vst v50  }
0x77: {  	v53 =	vsub.f32 v43, v45;
	[tilespmem:$0x11C0] =	vst v51  }
0x78: {  	[tilespmem:$0x11D0] =	vst v52;
	v1 =	vsub.f32 v47, v49  }
0x79: {  	[tilespmem:$0x11E0] =	vst v53  }
0x7a: {  	s24 =	sadd.s32 $0x20, s5;
	s25 =	simm.s32 $0x1100;
	s26 =	simm.s32 $0x5;
	[tilespmem:$0x11F0] =	vst v1  }
0x7b: {  	[hbm4b:s24+s2] =	stream.linear.scatter [tilespmem:s25], [sflag:$0x4], $0x100, $0x38;
	[tilespmem:$0x1400] =	vst v63  }
0x7c: {  	_ =	swait.ge [sflag:s26], $0x100  }
0x7d: {  	[sflag:s26] =	ssyncset.done $0x0  }
0x7e: {  	[sflag:s26] =	ssyncadd.s32 $0xFFFFFF00  }
0x7f: {  	_ =	swait.ge [sflag:s26], $0x100  }
0x80: {  	[sflag:s26] =	ssyncset.done $0x0  }
0x81: {  	[sflag:s26] =	ssyncadd.s32 $0xFFFFFF00  }
0x82: {  	v54 =	vld [tilespmem:$0xA00]  }
0x83: {  	v55 =	vld [tilespmem:$0xE00]  }
0x84: {  	v56 =	vld [tilespmem:$0xA10]  }
0x85: {  	v57 =	vld [tilespmem:$0xE10]  }
0x86: {  	v58 =	vld [tilespmem:$0xA20]  }
0x87: {  	v59 =	vld [tilespmem:$0xE20]  }
0x88: {  	v60 =	vld [tilespmem:$0xA30]  }
0x89: {  	v61 =	vld [tilespmem:$0xE30]  }
0x8a: {  	v62 =	vld [tilespmem:$0xA40]  }
0x8b: {  	v63 =	vld [tilespmem:$0xE40]  }
0x8c: {  	v24 =	vld [tilespmem:$0xA50]  }
0x8d: {  	v25 =	vld [tilespmem:$0xE50]  }
0x8e: {  	v26 =	vld [tilespmem:$0xA60]  }
0x8f: {  	v27 =	vld [tilespmem:$0xE60]  }
0x90: {  	v28 =	vld [tilespmem:$0xA70]  }
0x91: {  	v29 =	vld [tilespmem:$0xE70]  }
0x92: {  	v30 =	vld [tilespmem:$0xA80]  }
0x93: {  	v31 =	vld [tilespmem:$0xE80]  }
0x94: {  	v32 =	vld [tilespmem:$0xA90]  }
0x95: {  	v33 =	vld [tilespmem:$0xE90]  }
0x96: {  	v34 =	vld [tilespmem:$0xAA0]  }
0x97: {  	v35 =	vld [tilespmem:$0xEA0];
	v0 =	vsub.f32 v54, v55  }
0x98: {  	v36 =	vld [tilespmem:$0xAB0];
	v2 =	vsub.f32 v56, v57  }
0x99: {  	v38 =	vld [tilespmem:$0xEB0];
	v37 =	vsub.f32 v58, v59;
	[tilespmem:$0x1200] =	vst v0  }
0x9a: {  	v40 =	vld [tilespmem:$0xAC0];
	v39 =	vsub.f32 v60, v61;
	[tilespmem:$0x1210] =	vst v2  }
0x9b: {  	v42 =	vld [tilespmem:$0xEC0];
	v41 =	vsub.f32 v62, v63;
	[tilespmem:$0x1220] =	vst v37  }
0x9c: {  	v44 =	vld [tilespmem:$0xAD0];
	v43 =	vsub.f32 v24, v25;
	[tilespmem:$0x1230] =	vst v39  }
0x9d: {  	v46 =	vld [tilespmem:$0xED0];
	v45 =	vsub.f32 v26, v27;
	[tilespmem:$0x1240] =	vst v41  }
0x9e: {  	v48 =	vld [tilespmem:$0xAE0];
	v47 =	vsub.f32 v28, v29;
	[tilespmem:$0x1250] =	vst v43  }
0x9f: {  	v50 =	vld [tilespmem:$0xEE0];
	v49 =	vsub.f32 v30, v31;
	[tilespmem:$0x1260] =	vst v45  }
0xa0: {  	v52 =	vld [tilespmem:$0xAF0];
	v51 =	vsub.f32 v32, v33;
	[tilespmem:$0x1270] =	vst v47  }
0xa1: {  	v53 =	vsub.f32 v34, v35;
	v54 =	vld [tilespmem:$0xEF0];
	[tilespmem:$0x1280] =	vst v49  }
0xa2: {  	v55 =	vsub.f32 v36, v38;
	[tilespmem:$0x1290] =	vst v51  }
0xa3: {  	v56 =	vsub.f32 v40, v42;
	[tilespmem:$0x12A0] =	vst v53  }
0xa4: {  	v57 =	vsub.f32 v44, v46;
	[tilespmem:$0x12B0] =	vst v55  }
0xa5: {  	v58 =	vsub.f32 v48, v50;
	[tilespmem:$0x12C0] =	vst v56  }
0xa6: {  	[tilespmem:$0x12D0] =	vst v57;
	v1 =	vsub.f32 v52, v54  }
0xa7: {  	[tilespmem:$0x12E0] =	vst v58  }
0xa8: {  	s28 =	sadd.s32 $0x40, s5;
	s29 =	simm.s32 $0x1200;
	s30 =	simm.s32 $0x6;
	[tilespmem:$0x12F0] =	vst v1  }
0xa9: {  	[hbm4b:s28+s2] =	stream.linear.scatter [tilespmem:s29], [sflag:$0x5], $0x100, $0x38;
	[tilespmem:$0x1400] =	vst v63  }
0xaa: {  	_ =	swait.ge [sflag:s30], $0x100  }
0xab: {  	[sflag:s30] =	ssyncset.done $0x0  }
0xac: {  	[sflag:s30] =	ssyncadd.s32 $0xFFFFFF00  }
0xad: {  	_ =	swait.ge [sflag:s30], $0x100  }
0xae: {  	[sflag:s30] =	ssyncset.done $0x0  }
0xaf: {  	[sflag:s30] =	ssyncadd.s32 $0xFFFFFF00  }
0xb0: {  	v59 =	vld [tilespmem:$0xB00]  }
0xb1: {  	v60 =	vld [tilespmem:$0xF00]  }
0xb2: {  	v61 =	vld [tilespmem:$0xB10]  }
0xb3: {  	v62 =	vld [tilespmem:$0xF10]  }
0xb4: {  	v63 =	vld [tilespmem:$0xB20]  }
0xb5: {  	v24 =	vld [tilespmem:$0xF20]  }
0xb6: {  	v25 =	vld [tilespmem:$0xB30]  }
0xb7: {  	v26 =	vld [tilespmem:$0xF30]  }
0xb8: {  	v27 =	vld [tilespmem:$0xB40]  }
0xb9: {  	v28 =	vld [tilespmem:$0xF40]  }
0xba: {  	v29 =	vld [tilespmem:$0xB50]  }
0xbb: {  	v30 =	vld [tilespmem:$0xF50]  }
0xbc: {  	v31 =	vld [tilespmem:$0xB60]  }
0xbd: {  	v32 =	vld [tilespmem:$0xF60]  }
0xbe: {  	v33 =	vld [tilespmem:$0xB70]  }
0xbf: {  	v34 =	vld [tilespmem:$0xF70]  }
0xc0: {  	v35 =	vld [tilespmem:$0xB80]  }
0xc1: {  	v36 =	vld [tilespmem:$0xF80]  }
0xc2: {  	v37 =	vld [tilespmem:$0xB90]  }
0xc3: {  	v38 =	vld [tilespmem:$0xF90]  }
0xc4: {  	v39 =	vld [tilespmem:$0xBA0]  }
0xc5: {  	v40 =	vld [tilespmem:$0xFA0];
	v0 =	vsub.f32 v59, v60  }
0xc6: {  	v41 =	vld [tilespmem:$0xBB0];
	v2 =	vsub.f32 v61, v62  }
0xc7: {  	v43 =	vld [tilespmem:$0xFB0];
	v42 =	vsub.f32 v63, v24;
	[tilespmem:$0x1300] =	vst v0  }
0xc8: {  	v45 =	vld [tilespmem:$0xBC0];
	v44 =	vsub.f32 v25, v26;
	[tilespmem:$0x1310] =	vst v2  }
0xc9: {  	v47 =	vld [tilespmem:$0xFC0];
	v46 =	vsub.f32 v27, v28;
	[tilespmem:$0x1320] =	vst v42  }
0xca: {  	v49 =	vld [tilespmem:$0xBD0];
	v48 =	vsub.f32 v29, v30;
	[tilespmem:$0x1330] =	vst v44  }
0xcb: {  	v51 =	vld [tilespmem:$0xFD0];
	v50 =	vsub.f32 v31, v32;
	[tilespmem:$0x1340] =	vst v46  }
0xcc: {  	v53 =	vld [tilespmem:$0xBE0];
	v52 =	vsub.f32 v33, v34;
	[tilespmem:$0x1350] =	vst v48  }
0xcd: {  	v55 =	vld [tilespmem:$0xFE0];
	v54 =	vsub.f32 v35, v36;
	[tilespmem:$0x1360] =	vst v50  }
0xce: {  	v57 =	vld [tilespmem:$0xBF0];
	v56 =	vsub.f32 v37, v38;
	[tilespmem:$0x1370] =	vst v52  }
0xcf: {  	v58 =	vsub.f32 v39, v40;
	v59 =	vld [tilespmem:$0xFF0];
	[tilespmem:$0x1380] =	vst v54  }
0xd0: {  	v60 =	vsub.f32 v41, v43;
	[tilespmem:$0x1390] =	vst v56  }
0xd1: {  	v61 =	vsub.f32 v45, v47;
	[tilespmem:$0x13A0] =	vst v58  }
0xd2: {  	v62 =	vsub.f32 v49, v51;
	[tilespmem:$0x13B0] =	vst v60  }
0xd3: {  	v63 =	vsub.f32 v53, v55;
	[tilespmem:$0x13C0] =	vst v61  }
0xd4: {  	[tilespmem:$0x13D0] =	vst v62;
	v1 =	vsub.f32 v57, v59  }
0xd5: {  	[tilespmem:$0x13E0] =	vst v63  }
0xd6: {  	s31 =	simm.s32 $0x1300;
	s5 =	sadd.s32 $0x60, s5;
	[tilespmem:$0x13F0] =	vst v1  }
0xd7: {  	[hbm4b:s5+s2] =	stream.linear.scatter [tilespmem:s31], [sflag:$0x6], $0x100, $0x38;
	[tilespmem:$0x1400] =	vst v63  }
0xd8: {  	_ =	swait.ge [sflag:s21], $0x100  }
0xd9: {  	[sflag:s21] =	ssyncset.done $0x0  }
0xda: {  	[sflag:s21] =	ssyncadd.s32 $0xFFFFFF00  }
0xdb: {  	_ =	swait.ge [sflag:s23], $0x100  }
0xdc: {  	[sflag:s23] =	ssyncset.done $0x0  }
0xdd: {  	[sflag:s23] =	ssyncadd.s32 $0xFFFFFF00  }
0xde: {  	_ =	swait.ge [sflag:s26], $0x100  }
0xdf: {  	[sflag:s26] =	ssyncset.done $0x0  }
0xe0: {  	[sflag:s26] =	ssyncadd.s32 $0xFFFFFF00  }
0xe1: {  	_ =	swait.ge [sflag:s30], $0x100  }
0xe2: {  	[sflag:s30] =	ssyncset.done $0x0  }
0xe3: {  	[sflag:s30] =	ssyncadd.s32 $0xFFFFFF00  }
0xe4: {  	_ =	sfence.sel $0x180000  }
0xe5: {  	[bflag:$0x0] =	sbarrier.arrive $0xFFFF  }
0xe6: {  	p0 =	sne.s32 s1, $0x0;
	_ =	strace $0x90000047  }
0xe7: {  	s0 =	sadd.s32 @!p0 $0x100000, s0;
	[bflag:$0x2] =	sbarrier.arrive $0xFFFF  }
0xe8: {  	[sflag:s0] =	ssyncadd.tile.s32 @!p0 $0x1;
	_ =	shalt  }
.Lfunc_end2:
_tile_overlayer_lowered:
.L_overlay_start_2:
0xe9: {  	(tag) =	ssettag $0x2  }
0xea: {  	s0 =	rddreg [dreg:$0x0];
	s2 =	stileid.u32  }
0xeb: {  	s1 =	rddreg [dreg:$0x1];
	p0 =	sne.s32 s2, $0x0  }
0xec: {  	s3 =	rddreg [dreg:$0x2];
	[bflag:$0x3] =	sbarrier.arrive $0xFFFF;
	s2 =	simm.s32 @!p0 $0x1C07  }
0xed: {  	[timem:s3], [sflag:s2] =	dma.local @!p0 [hbm:s0], s1  }
0xee: {  	s0 =	simm.s32 @!p0 $0x7  }
0xef: {  	_ =	swait.ge @!p0 [sflag:s0], s1  }
0xf0: {  	s1 =	ssub.s32 @!p0 $0x0, s1;
	[sflag:s0] =	ssyncset.done @!p0 $0x0  }
0xf1: {  	[sflag:s0] =	ssyncadd.s32 @!p0 s1  }
0xf2: {  	[bflag:$0x3] =	sbarrier.arrive $0xFFFF  }
0xf3: {  	_ =	shalt  }

</sc_bundles>
